<compile_context>
chip_gen: v7x
topology: tpu7x:2x2x1
jax: 0.10.2.dev20260603
libtpu: 0.0.44.dev20260713+nightly
codegen_flags: <defaults>
</compile_context>

<pallas_src>
import functools

import jax
import jax.numpy as jnp
from jax import lax
from jax.experimental import pallas as pl
from jax.experimental.pallas import tpu as pltpu
from jax.experimental.pallas import tpu_sc as plsc

N = 10000
E = 320000
D = 128
NUM_GRAPHS = 64

NCORES = 2
NSUB = 16
NTILES = NCORES * NSUB
EDGES_PER_TILE = E // NTILES
CHUNK = 80
NCHUNK = EDGES_PER_TILE // CHUNK
NPAD = 10240
ROWS_PER_SUB = NPAD // NSUB
DEGW = 128
DROWS_PER_SUB = NPAD // NSUB

_mesh = plsc.VectorSubcoreMesh(core_axis_name="c", subcore_axis_name="s")


@functools.partial(
    pl.kernel,
    mesh=_mesh,
    out_type=jax.ShapeDtypeStruct((NCORES, NPAD, DEGW), jnp.float32),
    scratch_types=[
        pltpu.VMEM((NCHUNK, CHUNK), jnp.int32),
        pltpu.VMEM((CHUNK, DEGW), jnp.float32),
        pltpu.VMEM_SHARED((NPAD, DEGW), jnp.float32),
        pltpu.SemaphoreType.DMA((2,)),
    ],
)
def _count_kernel(dst3_hbm, onerows_hbm, zrows_hbm, deg_hbm,
                  didx, ones_v, deg_sp, sem):
    c = lax.axis_index("c")
    s = lax.axis_index("s")
    row0 = s * DROWS_PER_SUB
    wid = c * NSUB + s
    pltpu.sync_copy(onerows_hbm, ones_v)
    pltpu.sync_copy(dst3_hbm.at[wid], didx)
    pltpu.sync_copy(zrows_hbm, deg_sp.at[pl.ds(row0, DROWS_PER_SUB)])
    plsc.subcore_barrier()

    def body(k, carry):
        p = lax.rem(k, 2)

        @pl.when(k >= 2)
        def _():
            pltpu.make_async_copy(ones_v, deg_sp.at[didx.at[k - 2]],
                                  sem.at[p]).wait()

        pltpu.async_copy(ones_v, deg_sp.at[didx.at[k]], sem.at[p], add=True)
        return carry

    lax.fori_loop(0, NCHUNK, body, 0)
    pltpu.make_async_copy(ones_v, deg_sp.at[didx.at[NCHUNK - 2]],
                          sem.at[(NCHUNK - 2) % 2]).wait()
    pltpu.make_async_copy(ones_v, deg_sp.at[didx.at[NCHUNK - 1]],
                          sem.at[(NCHUNK - 1) % 2]).wait()
    plsc.subcore_barrier()
    pltpu.sync_copy(deg_sp.at[pl.ds(row0, DROWS_PER_SUB)],
                    deg_hbm.at[c].at[pl.ds(row0, DROWS_PER_SUB)])


@functools.partial(
    pl.kernel,
    mesh=_mesh,
    out_type=jax.ShapeDtypeStruct((NCORES, NPAD, D), jnp.float32),
    scratch_types=[
        pltpu.VMEM((3, CHUNK), jnp.int32),
        pltpu.VMEM((3, CHUNK), jnp.int32),
        pltpu.VMEM((2, CHUNK, D), jnp.float32),
        pltpu.VMEM_SHARED((NPAD, D), jnp.float32),
        pltpu.SemaphoreType.DMA((3,)),
        pltpu.SemaphoreType.DMA((2,)),
        pltpu.SemaphoreType.DMA((2,)),
    ],
)
def _mp_kernel(y_hbm, src_hbm, dst_hbm, zrows_hbm, agg_hbm,
               sidx, didx, rows_v, agg_sp, isem, gsem, ssem):
    c = lax.axis_index("c")
    s = lax.axis_index("s")
    row0 = s * ROWS_PER_SUB
    base = (c * NSUB + s) * EDGES_PER_TILE
    pltpu.sync_copy(zrows_hbm, agg_sp.at[pl.ds(row0, ROWS_PER_SUB)])

    def idx_load(k, j):
        off = pl.multiple_of(base + k * CHUNK, 8)
        pltpu.async_copy(src_hbm.at[pl.ds(off, CHUNK)], sidx.at[j], isem.at[j])
        pltpu.async_copy(dst_hbm.at[pl.ds(off, CHUNK)], didx.at[j], isem.at[j])

    def idx_wait(j):
        pltpu.make_async_copy(src_hbm.at[pl.ds(0, CHUNK)], sidx.at[j],
                              isem.at[j]).wait()
        pltpu.make_async_copy(dst_hbm.at[pl.ds(0, CHUNK)], didx.at[j],
                              isem.at[j]).wait()

    def gather_start(k, p):
        pltpu.async_copy(y_hbm.at[sidx.at[lax.rem(k, 3)]], rows_v.at[p],
                         gsem.at[p])

    def scatter_start(k, p):
        pltpu.async_copy(rows_v.at[p], agg_sp.at[didx.at[lax.rem(k, 3)]],
                         ssem.at[p], add=True)

    def scatter_wait(k, p):
        pltpu.make_async_copy(rows_v.at[p], agg_sp.at[didx.at[lax.rem(k, 3)]],
                              ssem.at[p]).wait()

    idx_load(0, 0)
    idx_load(1, 1)
    plsc.subcore_barrier()
    idx_wait(0)
    gather_start(0, 0)

    def body(k, carry):
        p = lax.rem(k, 2)

        @pl.when(k >= 1)
        def _():
            scatter_wait(k - 1, 1 - p)

        @pl.when(k + 2 < NCHUNK)
        def _():
            idx_load(k + 2, lax.rem(k + 2, 3))

        @pl.when(k + 1 < NCHUNK)
        def _():
            idx_wait(lax.rem(k + 1, 3))
            gather_start(k + 1, 1 - p)

        pltpu.make_async_copy(y_hbm.at[sidx.at[lax.rem(k, 3)]], rows_v.at[p],
                              gsem.at[p]).wait()
        scatter_start(k, p)
        return carry

    lax.fori_loop(0, NCHUNK, body, 0)
    scatter_wait(NCHUNK - 1, (NCHUNK - 1) % 2)
    plsc.subcore_barrier()
    pltpu.sync_copy(agg_sp.at[pl.ds(row0, ROWS_PER_SUB)],
                    agg_hbm.at[c].at[pl.ds(row0, ROWS_PER_SUB)])


ROWS_BLK = 1000
GRID = N // ROWS_BLK


def _tc1_body(x_ref, w_ref, deg_ref, y_ref, dinv_ref):
    deg = deg_ref[0, :, 0:1] + deg_ref[1, :, 0:1] + 1.0
    di = lax.rsqrt(deg)
    xw = jnp.dot(x_ref[...], w_ref[...], preferred_element_type=jnp.float32)
    y_ref[...] = xw * di
    dinv_ref[...] = di


def _tc2_body(a_ref, y1_ref, dinv_ref, b_ref, w_ref, y2_ref):
    di = dinv_ref[...]
    h = jnp.maximum(di * (a_ref[0] + a_ref[1] + y1_ref[...]) + b_ref[...], 0.0)
    y2_ref[...] = di * jnp.dot(h, w_ref[...], preferred_element_type=jnp.float32)


def _tc3_body(a_ref, y2_ref, dinv_ref, b_ref, batch_ref, wl_ref,
              bl_ref, out_ref, psum_ref):
    i = pl.program_id(0)

    @pl.when(i == 0)
    def _():
        psum_ref[...] = jnp.zeros_like(psum_ref)

    di = dinv_ref[...]
    h = jnp.maximum(di * (a_ref[0] + a_ref[1] + y2_ref[...]) + b_ref[...], 0.0)
    gid = lax.broadcasted_iota(jnp.int32, (1, NUM_GRAPHS), 1)
    onehot = (batch_ref[...] == gid).astype(jnp.float32)
    hcat = jnp.concatenate([h, jnp.ones_like(h)], axis=1)
    psum_ref[...] += lax.dot_general(
        onehot, hcat, (((0,), (0,)), ((), ())),
        preferred_element_type=jnp.float32)

    @pl.when(i == GRID - 1)
    def _():
        cnt = jnp.maximum(psum_ref[:, D:D + 1], 1.0)
        pooled = psum_ref[:, :D] / cnt
        out_ref[...] = (jnp.dot(pooled, wl_ref[...],
                                preferred_element_type=jnp.float32)
                        + bl_ref[...])


def _row_spec(shape_tail):
    nz = len(shape_tail)
    return pl.BlockSpec((ROWS_BLK,) + shape_tail,
                        lambda i, _nz=nz: (i,) + (0,) * _nz)


_pair_spec = pl.BlockSpec((NCORES, ROWS_BLK, D), lambda i: (0, i, 0))
_deg_spec = pl.BlockSpec((NCORES, ROWS_BLK, DEGW), lambda i: (0, i, 0))


def _full_spec(shape):
    nz = len(shape)
    return pl.BlockSpec(shape, lambda i, _nz=nz: (0,) * _nz)


_tc1 = pl.pallas_call(
    _tc1_body,
    grid=(GRID,),
    in_specs=[_row_spec((D,)), _full_spec((D, D)), _deg_spec],
    out_specs=(_row_spec((D,)), _row_spec((1,))),
    out_shape=(jax.ShapeDtypeStruct((N, D), jnp.float32),
               jax.ShapeDtypeStruct((N, 1), jnp.float32)),
)

_tc2 = pl.pallas_call(
    _tc2_body,
    grid=(GRID,),
    in_specs=[_pair_spec, _row_spec((D,)),
              _row_spec((1,)), _full_spec((1, D)), _full_spec((D, D))],
    out_specs=_row_spec((D,)),
    out_shape=jax.ShapeDtypeStruct((N, D), jnp.float32),
)

_tc3 = pl.pallas_call(
    _tc3_body,
    grid=(GRID,),
    in_specs=[_pair_spec, _row_spec((D,)),
              _row_spec((1,)), _full_spec((1, D)), _row_spec((1,)),
              _full_spec((D, NUM_GRAPHS)), _full_spec((1, NUM_GRAPHS))],
    out_specs=_full_spec((NUM_GRAPHS, NUM_GRAPHS)),
    out_shape=jax.ShapeDtypeStruct((NUM_GRAPHS, NUM_GRAPHS), jnp.float32),
    scratch_shapes=[pltpu.VMEM((NUM_GRAPHS, 2 * D), jnp.float32)],
)


def kernel(x, edge_index, batch, W1, b1, W2, b2, Wl, bl):
    src = edge_index[0]
    dst = edge_index[1]
    dst3 = dst.reshape(NTILES, NCHUNK, CHUNK)

    onerows = jnp.zeros((CHUNK, DEGW), jnp.float32).at[:, 0].set(1.0)
    zrows_deg = jnp.zeros((DROWS_PER_SUB, DEGW), jnp.float32)
    zrows_agg = jnp.zeros((ROWS_PER_SUB, D), jnp.float32)

    deg_pair = _count_kernel(dst3, onerows, zrows_deg)
    y1, dinv = _tc1(x, W1, deg_pair)
    a1 = _mp_kernel(y1, src, dst, zrows_agg)
    y2 = _tc2(a1, y1, dinv, b1.reshape(1, D), W2)
    a2 = _mp_kernel(y2, src, dst, zrows_agg)
    out = _tc3(a2, y2, dinv, b2.reshape(1, D),
               batch.reshape(N, 1), Wl, bl.reshape(1, NUM_GRAPHS))
    return out

# --- scband reference (transcript-rebuilt; emitter-appended) ---
"""Pipeline reference for scband-gcn-21294447853629 (READ-ONLY COPY).

The authoritative reference and input builder live on the scoring server;
editing this copy changes nothing except your own understanding.
"""

import jax, jax.numpy as jnp
import numpy as np

N = 10000
E = 320000
D_IN = 128
HIDDEN = 128
D_OUT = 64
NUM_GRAPHS = 64


def setup_inputs(seed: int = 0) -> dict:
    key = jax.random.key(seed)
    ks = jax.random.split(key, 10)
    x = jax.random.normal(ks[0], (N, D_IN), dtype=jnp.float32)
    edge_index = jax.random.randint(ks[1], (2, E), 0, N, dtype=jnp.int32)
    batch = jnp.sort(jax.random.randint(ks[2], (N,), 0, NUM_GRAPHS, dtype=jnp.int32))
    W1 = jax.random.normal(ks[3], (D_IN, HIDDEN), dtype=jnp.float32) * (1.0 / np.sqrt(D_IN))
    b1 = jnp.zeros((HIDDEN,), dtype=jnp.float32)
    W2 = jax.random.normal(ks[4], (HIDDEN, HIDDEN), dtype=jnp.float32) * (1.0 / np.sqrt(HIDDEN))
    b2 = jnp.zeros((HIDDEN,), dtype=jnp.float32)
    Wl = jax.random.normal(ks[5], (HIDDEN, D_OUT), dtype=jnp.float32) * (1.0 / np.sqrt(HIDDEN))
    bl = jnp.zeros((D_OUT,), dtype=jnp.float32)
    return {"x": x, "edge_index": edge_index, "batch": batch, "W1": W1, "b1": b1, "W2": W2, "b2": b2, "Wl": Wl, "bl": bl}


def _gcn_conv(x, edge_index, W, b):
    # PyG GCNConv: add self-loops, symmetric deg normalization, x' = D^-1/2 (A+I) D^-1/2 X W + b
    num_nodes = x.shape[0]
    src = edge_index[0]
    dst = edge_index[1]
    loop = jnp.arange(num_nodes, dtype=src.dtype)
    src = jnp.concatenate([src, loop])
    dst = jnp.concatenate([dst, loop])
    deg = jnp.zeros((num_nodes,), dtype=x.dtype).at[dst].add(1.0)
    deg_inv_sqrt = jnp.where(deg > 0, jax.lax.rsqrt(jnp.maximum(deg, 1e-12)), 0.0)
    norm = deg_inv_sqrt[src] * deg_inv_sqrt[dst]
    xw = x @ W
    msg = jnp.take(xw, src, axis=0) * norm[:, None]
    out = jnp.zeros((num_nodes, W.shape[1]), dtype=x.dtype).at[dst].add(msg)
    return out + b


def _global_mean_pool(h, batch, num_graphs):
    sums = jax.ops.segment_sum(h, batch, num_segments=num_graphs)
    counts = jax.ops.segment_sum(jnp.ones((h.shape[0], 1), dtype=h.dtype), batch, num_segments=num_graphs)
    return sums / jnp.maximum(counts, 1.0)


def reference(x, edge_index, batch, W1, b1, W2, b2, Wl, bl):
    h = jax.nn.relu(_gcn_conv(x, edge_index, W1, b1))
    # dropout p=0.0 -> identity
    h = jax.nn.relu(_gcn_conv(h, edge_index, W2, b2))
    pooled = _global_mean_pool(h, batch, NUM_GRAPHS)
    return pooled @ Wl + bl

if __name__ == "__main__":
    import jax
    _d = setup_inputs()
    print(jax.jit(kernel)(*tuple(_d.values())))

</pallas_src>

<mosaic_0001>
#map = affine_map<(d0, d1) -> (0, 0)>
#map1 = affine_map<(d0, d1) -> (0)>
#map2 = affine_map<(d0, d1) -> (0, 0, 0)>
module attributes {stable_mosaic.version = 14 : i64} {
  func.func @_mp_kernel(%arg0: i32, %arg1: i32, %arg2: memref<10000x128xf32, #tpu.memory_space<hbm>>, %arg3: memref<320000xi32, #tpu.memory_space<hbm>>, %arg4: memref<320000xi32, #tpu.memory_space<hbm>>, %arg5: memref<640x128xf32, #tpu.memory_space<hbm>>, %arg6: memref<2x10240x128xf32, #tpu.memory_space<hbm>>, %arg7: memref<3x80xi32, #tpu.memory_space<vmem>>, %arg8: memref<3x80xi32, #tpu.memory_space<vmem>>, %arg9: memref<2x80x128xf32, #tpu.memory_space<vmem>>, %arg10: memref<10240x128xf32, #tpu.memory_space<vmem_shared>>, %arg11: memref<3x!tpu.dma_semaphore, #tpu.memory_space<semaphore_mem>>, %arg12: memref<2x!tpu.dma_semaphore, #tpu.memory_space<semaphore_mem>>, %arg13: memref<2x!tpu.dma_semaphore, #tpu.memory_space<semaphore_mem>>) attributes {dimension_semantics = [#tpu.dimension_semantics<core_parallel>, #tpu.dimension_semantics<subcore_parallel>], iteration_bounds = array<i64: 2, 16>, scalar_prefetch = 0 : i64, scratch_operands = 7 : i64, tpu.core_type = #tpu.core_type<sc_vector_subcore>, window_params = [{transform_indices = #map}, {transform_indices = #map1}, {transform_indices = #map1}, {transform_indices = #map}, {transform_indices = #map2}]} {
    %mul3A = arith.constant 640 : i32
    %mul3A_0 = arith.muli %arg1, %mul3A : i32
    %mul3A_1 = arith.constant 16 : i32
    %mul3A_2 = arith.muli %arg0, %mul3A_1 : i32
    %add3A = arith.addi %mul3A_2, %arg1 : i32
    %mul3A_3 = arith.constant 10000 : i32
    %mul3A_4 = arith.muli %add3A, %mul3A_3 : i32
    "tpu.region"() ({
      %run_scoped3A = tpu.sem_alloc : memref<!tpu.dma_semaphore, #tpu.memory_space<semaphore_mem>>
      %dma_start3A_123 = arith.constant 0 : i32
      %dma_start3A_124 = tpu.memref_slice %arg10[%mul3A_0, %dma_start3A_123] : memref<10240x128xf32, #tpu.memory_space<vmem_shared>> -> memref<640x128xf32, #tpu.memory_space<vmem_shared>>
      tpu.enqueue_dma source(%arg5 : memref<640x128xf32, #tpu.memory_space<hbm>>) target(%dma_start3A_124 : memref<640x128xf32, #tpu.memory_space<vmem_shared>>) target_semaphore(%run_scoped3A : memref<!tpu.dma_semaphore, #tpu.memory_space<semaphore_mem>>)
      %dma_wait3A_125 = arith.constant 0 : i32
      %dma_wait3A_126 = tpu.memref_slice %arg10[%mul3A_0, %dma_wait3A_125] : memref<10240x128xf32, #tpu.memory_space<vmem_shared>> -> memref<640x128xf32, #tpu.memory_space<vmem_shared>>
      tpu.wait_dma2 semaphore(%run_scoped3A : memref<!tpu.dma_semaphore, #tpu.memory_space<semaphore_mem>>) src(%arg5 : memref<640x128xf32, #tpu.memory_space<hbm>>) dst(%dma_wait3A_126 : memref<640x128xf32, #tpu.memory_space<vmem_shared>>)
      tpu.yield
    }) : () -> ()
    %add3A_5 = arith.constant 0 : i32
    %add3A_6 = arith.addi %mul3A_4, %add3A_5 : i32
    %multiple_of3A = tpu.assume_multiple %add3A_6, 8 : i32
    %dma_start3A = arith.constant 0 : i32
    %dma_start3A_7 = arith.constant 0 : i32
    %dma_start3A_8 = arith.constant 0 : i32
    %dma_start3A_9 = tpu.memref_slice %arg7[%dma_start3A, %dma_start3A_8] : memref<3x80xi32, #tpu.memory_space<vmem>> -> memref<1x80xi32, #tpu.memory_space<vmem>>
    %dma_start3A_10 = tpu.memref_squeeze %dma_start3A_9 : memref<1x80xi32, #tpu.memory_space<vmem>> -> memref<80xi32, #tpu.memory_space<vmem>>
    %dma_start3A_11 = tpu.memref_slice %arg3[%multiple_of3A] : memref<320000xi32, #tpu.memory_space<hbm>> -> memref<80xi32, #tpu.memory_space<hbm>>
    %dma_start3A_12 = tpu.memref_slice %arg11[%dma_start3A_7] : memref<3x!tpu.dma_semaphore, #tpu.memory_space<semaphore_mem>> -> memref<1x!tpu.dma_semaphore, #tpu.memory_space<semaphore_mem>>
    %dma_start3A_13 = tpu.memref_squeeze %dma_start3A_12 : memref<1x!tpu.dma_semaphore, #tpu.memory_space<semaphore_mem>> -> memref<!tpu.dma_semaphore, #tpu.memory_space<semaphore_mem>>
    %dma_start3A_14 = arith.constant 0 : i32
    %dma_start3A_15 = tpu.memref_slice %arg7[%dma_start3A, %dma_start3A_14] : memref<3x80xi32, #tpu.memory_space<vmem>> -> memref<1x80xi32, #tpu.memory_space<vmem>>
    %dma_start3A_16 = tpu.memref_squeeze %dma_start3A_15 : memref<1x80xi32, #tpu.memory_space<vmem>> -> memref<80xi32, #tpu.memory_space<vmem>>
    %dma_start3A_17 = tpu.memref_slice %arg3[%multiple_of3A] : memref<320000xi32, #tpu.memory_space<hbm>> -> memref<80xi32, #tpu.memory_space<hbm>>
    tpu.enqueue_dma source(%dma_start3A_17 : memref<80xi32, #tpu.memory_space<hbm>>) target(%dma_start3A_16 : memref<80xi32, #tpu.memory_space<vmem>>) target_semaphore(%dma_start3A_13 : memref<!tpu.dma_semaphore, #tpu.memory_space<semaphore_mem>>)
    %dma_start3A_18 = arith.constant 0 : i32
    %dma_start3A_19 = arith.constant 0 : i32
    %dma_start3A_20 = arith.constant 0 : i32
    %dma_start3A_21 = tpu.memref_slice %arg8[%dma_start3A_18, %dma_start3A_20] : memref<3x80xi32, #tpu.memory_space<vmem>> -> memref<1x80xi32, #tpu.memory_space<vmem>>
    %dma_start3A_22 = tpu.memref_squeeze %dma_start3A_21 : memref<1x80xi32, #tpu.memory_space<vmem>> -> memref<80xi32, #tpu.memory_space<vmem>>
    %dma_start3A_23 = tpu.memref_slice %arg4[%multiple_of3A] : memref<320000xi32, #tpu.memory_space<hbm>> -> memref<80xi32, #tpu.memory_space<hbm>>
    %dma_start3A_24 = tpu.memref_slice %arg11[%dma_start3A_19] : memref<3x!tpu.dma_semaphore, #tpu.memory_space<semaphore_mem>> -> memref<1x!tpu.dma_semaphore, #tpu.memory_space<semaphore_mem>>
    %dma_start3A_25 = tpu.memref_squeeze %dma_start3A_24 : memref<1x!tpu.dma_semaphore, #tpu.memory_space<semaphore_mem>> -> memref<!tpu.dma_semaphore, #tpu.memory_space<semaphore_mem>>
    %dma_start3A_26 = arith.constant 0 : i32
    %dma_start3A_27 = tpu.memref_slice %arg8[%dma_start3A_18, %dma_start3A_26] : memref<3x80xi32, #tpu.memory_space<vmem>> -> memref<1x80xi32, #tpu.memory_space<vmem>>
    %dma_start3A_28 = tpu.memref_squeeze %dma_start3A_27 : memref<1x80xi32, #tpu.memory_space<vmem>> -> memref<80xi32, #tpu.memory_space<vmem>>
    %dma_start3A_29 = tpu.memref_slice %arg4[%multiple_of3A] : memref<320000xi32, #tpu.memory_space<hbm>> -> memref<80xi32, #tpu.memory_space<hbm>>
    tpu.enqueue_dma source(%dma_start3A_29 : memref<80xi32, #tpu.memory_space<hbm>>) target(%dma_start3A_28 : memref<80xi32, #tpu.memory_space<vmem>>) target_semaphore(%dma_start3A_25 : memref<!tpu.dma_semaphore, #tpu.memory_space<semaphore_mem>>)
    %add3A_30 = arith.constant 80 : i32
    %add3A_31 = arith.addi %mul3A_4, %add3A_30 : i32
    %multiple_of3A_32 = tpu.assume_multiple %add3A_31, 8 : i32
    %dma_start3A_33 = arith.constant 1 : i32
    %dma_start3A_34 = arith.constant 1 : i32
    %dma_start3A_35 = arith.constant 0 : i32
    %dma_start3A_36 = tpu.memref_slice %arg7[%dma_start3A_33, %dma_start3A_35] : memref<3x80xi32, #tpu.memory_space<vmem>> -> memref<1x80xi32, #tpu.memory_space<vmem>>
    %dma_start3A_37 = tpu.memref_squeeze %dma_start3A_36 : memref<1x80xi32, #tpu.memory_space<vmem>> -> memref<80xi32, #tpu.memory_space<vmem>>
    %dma_start3A_38 = tpu.memref_slice %arg3[%multiple_of3A_32] : memref<320000xi32, #tpu.memory_space<hbm>> -> memref<80xi32, #tpu.memory_space<hbm>>
    %dma_start3A_39 = tpu.memref_slice %arg11[%dma_start3A_34] : memref<3x!tpu.dma_semaphore, #tpu.memory_space<semaphore_mem>> -> memref<1x!tpu.dma_semaphore, #tpu.memory_space<semaphore_mem>>
    %dma_start3A_40 = tpu.memref_squeeze %dma_start3A_39 : memref<1x!tpu.dma_semaphore, #tpu.memory_space<semaphore_mem>> -> memref<!tpu.dma_semaphore, #tpu.memory_space<semaphore_mem>>
    %dma_start3A_41 = arith.constant 0 : i32
    %dma_start3A_42 = tpu.memref_slice %arg7[%dma_start3A_33, %dma_start3A_41] : memref<3x80xi32, #tpu.memory_space<vmem>> -> memref<1x80xi32, #tpu.memory_space<vmem>>
    %dma_start3A_43 = tpu.memref_squeeze %dma_start3A_42 : memref<1x80xi32, #tpu.memory_space<vmem>> -> memref<80xi32, #tpu.memory_space<vmem>>
    %dma_start3A_44 = tpu.memref_slice %arg3[%multiple_of3A_32] : memref<320000xi32, #tpu.memory_space<hbm>> -> memref<80xi32, #tpu.memory_space<hbm>>
    tpu.enqueue_dma source(%dma_start3A_44 : memref<80xi32, #tpu.memory_space<hbm>>) target(%dma_start3A_43 : memref<80xi32, #tpu.memory_space<vmem>>) target_semaphore(%dma_start3A_40 : memref<!tpu.dma_semaphore, #tpu.memory_space<semaphore_mem>>)
    %dma_start3A_45 = arith.constant 1 : i32
    %dma_start3A_46 = arith.constant 1 : i32
    %dma_start3A_47 = arith.constant 0 : i32
    %dma_start3A_48 = tpu.memref_slice %arg8[%dma_start3A_45, %dma_start3A_47] : memref<3x80xi32, #tpu.memory_space<vmem>> -> memref<1x80xi32, #tpu.memory_space<vmem>>
    %dma_start3A_49 = tpu.memref_squeeze %dma_start3A_48 : memref<1x80xi32, #tpu.memory_space<vmem>> -> memref<80xi32, #tpu.memory_space<vmem>>
    %dma_start3A_50 = tpu.memref_slice %arg4[%multiple_of3A_32] : memref<320000xi32, #tpu.memory_space<hbm>> -> memref<80xi32, #tpu.memory_space<hbm>>
    %dma_start3A_51 = tpu.memref_slice %arg11[%dma_start3A_46] : memref<3x!tpu.dma_semaphore, #tpu.memory_space<semaphore_mem>> -> memref<1x!tpu.dma_semaphore, #tpu.memory_space<semaphore_mem>>
    %dma_start3A_52 = tpu.memref_squeeze %dma_start3A_51 : memref<1x!tpu.dma_semaphore, #tpu.memory_space<semaphore_mem>> -> memref<!tpu.dma_semaphore, #tpu.memory_space<semaphore_mem>>
    %dma_start3A_53 = arith.constant 0 : i32
    %dma_start3A_54 = tpu.memref_slice %arg8[%dma_start3A_45, %dma_start3A_53] : memref<3x80xi32, #tpu.memory_space<vmem>> -> memref<1x80xi32, #tpu.memory_space<vmem>>
    %dma_start3A_55 = tpu.memref_squeeze %dma_start3A_54 : memref<1x80xi32, #tpu.memory_space<vmem>> -> memref<80xi32, #tpu.memory_space<vmem>>
    %dma_start3A_56 = tpu.memref_slice %arg4[%multiple_of3A_32] : memref<320000xi32, #tpu.memory_space<hbm>> -> memref<80xi32, #tpu.memory_space<hbm>>
    tpu.enqueue_dma source(%dma_start3A_56 : memref<80xi32, #tpu.memory_space<hbm>>) target(%dma_start3A_55 : memref<80xi32, #tpu.memory_space<vmem>>) target_semaphore(%dma_start3A_52 : memref<!tpu.dma_semaphore, #tpu.memory_space<semaphore_mem>>)
    %barrier3A = arith.constant 0 : index
    tpu.barrier barrier_id(%barrier3A)
    %dma_wait3A = arith.constant 0 : i32
    %dma_wait3A_57 = arith.constant 0 : i32
    %dma_wait3A_58 = arith.constant 0 : i32
    %dma_wait3A_59 = tpu.memref_slice %arg7[%dma_wait3A, %dma_wait3A_58] : memref<3x80xi32, #tpu.memory_space<vmem>> -> memref<1x80xi32, #tpu.memory_space<vmem>>
    %dma_wait3A_60 = tpu.memref_squeeze %dma_wait3A_59 : memref<1x80xi32, #tpu.memory_space<vmem>> -> memref<80xi32, #tpu.memory_space<vmem>>
    %dma_wait3A_61 = arith.constant 0 : i32
    %dma_wait3A_62 = tpu.memref_slice %arg3[%dma_wait3A_61] : memref<320000xi32, #tpu.memory_space<hbm>> -> memref<80xi32, #tpu.memory_space<hbm>>
    %dma_wait3A_63 = tpu.memref_slice %arg11[%dma_wait3A_57] : memref<3x!tpu.dma_semaphore, #tpu.memory_space<semaphore_mem>> -> memref<1x!tpu.dma_semaphore, #tpu.memory_space<semaphore_mem>>
    %dma_wait3A_64 = tpu.memref_squeeze %dma_wait3A_63 : memref<1x!tpu.dma_semaphore, #tpu.memory_space<semaphore_mem>> -> memref<!tpu.dma_semaphore, #tpu.memory_space<semaphore_mem>>
    %dma_wait3A_65 = arith.constant 0 : i32
    %dma_wait3A_66 = tpu.memref_slice %arg7[%dma_wait3A, %dma_wait3A_65] : memref<3x80xi32, #tpu.memory_space<vmem>> -> memref<1x80xi32, #tpu.memory_space<vmem>>
    %dma_wait3A_67 = tpu.memref_squeeze %dma_wait3A_66 : memref<1x80xi32, #tpu.memory_space<vmem>> -> memref<80xi32, #tpu.memory_space<vmem>>
    %dma_wait3A_68 = arith.constant 0 : i32
    %dma_wait3A_69 = tpu.memref_slice %arg3[%dma_wait3A_68] : memref<320000xi32, #tpu.memory_space<hbm>> -> memref<80xi32, #tpu.memory_space<hbm>>
    tpu.wait_dma2 semaphore(%dma_wait3A_64 : memref<!tpu.dma_semaphore, #tpu.memory_space<semaphore_mem>>) src(%dma_wait3A_69 : memref<80xi32, #tpu.memory_space<hbm>>) dst(%dma_wait3A_67 : memref<80xi32, #tpu.memory_space<vmem>>)
    %dma_wait3A_70 = arith.constant 0 : i32
    %dma_wait3A_71 = arith.constant 0 : i32
    %dma_wait3A_72 = arith.constant 0 : i32
    %dma_wait3A_73 = tpu.memref_slice %arg8[%dma_wait3A_70, %dma_wait3A_72] : memref<3x80xi32, #tpu.memory_space<vmem>> -> memref<1x80xi32, #tpu.memory_space<vmem>>
    %dma_wait3A_74 = tpu.memref_squeeze %dma_wait3A_73 : memref<1x80xi32, #tpu.memory_space<vmem>> -> memref<80xi32, #tpu.memory_space<vmem>>
    %dma_wait3A_75 = arith.constant 0 : i32
    %dma_wait3A_76 = tpu.memref_slice %arg4[%dma_wait3A_75] : memref<320000xi32, #tpu.memory_space<hbm>> -> memref<80xi32, #tpu.memory_space<hbm>>
    %dma_wait3A_77 = tpu.memref_slice %arg11[%dma_wait3A_71] : memref<3x!tpu.dma_semaphore, #tpu.memory_space<semaphore_mem>> -> memref<1x!tpu.dma_semaphore, #tpu.memory_space<semaphore_mem>>
    %dma_wait3A_78 = tpu.memref_squeeze %dma_wait3A_77 : memref<1x!tpu.dma_semaphore, #tpu.memory_space<semaphore_mem>> -> memref<!tpu.dma_semaphore, #tpu.memory_space<semaphore_mem>>
    %dma_wait3A_79 = arith.constant 0 : i32
    %dma_wait3A_80 = tpu.memref_slice %arg8[%dma_wait3A_70, %dma_wait3A_79] : memref<3x80xi32, #tpu.memory_space<vmem>> -> memref<1x80xi32, #tpu.memory_space<vmem>>
    %dma_wait3A_81 = tpu.memref_squeeze %dma_wait3A_80 : memref<1x80xi32, #tpu.memory_space<vmem>> -> memref<80xi32, #tpu.memory_space<vmem>>
    %dma_wait3A_82 = arith.constant 0 : i32
    %dma_wait3A_83 = tpu.memref_slice %arg4[%dma_wait3A_82] : memref<320000xi32, #tpu.memory_space<hbm>> -> memref<80xi32, #tpu.memory_space<hbm>>
    tpu.wait_dma2 semaphore(%dma_wait3A_78 : memref<!tpu.dma_semaphore, #tpu.memory_space<semaphore_mem>>) src(%dma_wait3A_83 : memref<80xi32, #tpu.memory_space<hbm>>) dst(%dma_wait3A_81 : memref<80xi32, #tpu.memory_space<vmem>>)
    %rem3A = arith.constant 0 : i32
    %rem3A_84 = arith.constant 3 : i32
    %rem3A_85 = arith.remsi %rem3A, %rem3A_84 : i32
    %dma_start3A_86 = arith.constant 0 : i32
    %dma_start3A_87 = arith.constant 0 : i32
    %dma_start3A_88 = arith.constant 0 : i32
    %dma_start3A_89 = arith.constant 0 : i32
    %dma_start3A_90 = tpu.memref_slice %arg9[%dma_start3A_86, %dma_start3A_88, %dma_start3A_89] : memref<2x80x128xf32, #tpu.memory_space<vmem>> -> memref<1x80x128xf32, #tpu.memory_space<vmem>>
    %dma_start3A_91 = tpu.memref_squeeze %dma_start3A_90 : memref<1x80x128xf32, #tpu.memory_space<vmem>> -> memref<80x128xf32, #tpu.memory_space<vmem>>
    %dma_start3A_92 = arith.constant 0 : i32
    %dma_start3A_93 = tpu.memref_slice %arg7[%rem3A_85, %dma_start3A_92] : memref<3x80xi32, #tpu.memory_space<vmem>> -> memref<1x80xi32, #tpu.memory_space<vmem>>
    %dma_start3A_94 = tpu.memref_squeeze %dma_start3A_93 : memref<1x80xi32, #tpu.memory_space<vmem>> -> memref<80xi32, #tpu.memory_space<vmem>>
    %dma_start3A_95 = arith.constant 0 : i32
    %dma_start3A_96 = arith.constant 0 : i32
    %dma_start3A_97 = tpu.memref_slice %arg2[%dma_start3A_95, %dma_start3A_96] : memref<10000x128xf32, #tpu.memory_space<hbm>> -> memref<10000x128xf32, #tpu.memory_space<hbm>>
    %dma_start3A_98 = tpu.memref_slice %arg12[%dma_start3A_87] : memref<2x!tpu.dma_semaphore, #tpu.memory_space<semaphore_mem>> -> memref<1x!tpu.dma_semaphore, #tpu.memory_space<semaphore_mem>>
    %dma_start3A_99 = tpu.memref_squeeze %dma_start3A_98 : memref<1x!tpu.dma_semaphore, #tpu.memory_space<semaphore_mem>> -> memref<!tpu.dma_semaphore, #tpu.memory_space<semaphore_mem>>
    tpu.enqueue_indirect_dma source(%dma_start3A_97 : memref<10000x128xf32, #tpu.memory_space<hbm>>) target(%dma_start3A_91 : memref<80x128xf32, #tpu.memory_space<vmem>>) offsets(%dma_start3A_94 : memref<80xi32, #tpu.memory_space<vmem>>) semaphore(%dma_start3A_99 : memref<!tpu.dma_semaphore, #tpu.memory_space<semaphore_mem>>)
    %scan3A = arith.constant 0 : i32
    %scan3A_100 = arith.constant 0 : i32
    %scan3A_101 = arith.constant 125 : i32
    %scan3A_102 = arith.addi %scan3A_100, %scan3A_101 : i32
    %scan3A_103 = arith.constant 1 : i32
    scf.for %scan3A_123 = %scan3A_100 to %scan3A_102 step %scan3A_103  : i32 {
      %rem3A_124 = arith.constant 2 : i32
      %rem3A_125 = arith.remsi %scan3A_123, %rem3A_124 : i32
      %ge3A = arith.constant 1 : i32
      %ge3A_126 = arith.cmpi sge, %scan3A_123, %ge3A : i32
      %convert_element_type3A = arith.extui %ge3A_126 : i1 to i32
      %cond3A = arith.constant 0 : i32
      %cond3A_127 = arith.cmpi ne, %convert_element_type3A, %cond3A : i32
      scf.if %cond3A_127 {
        %sub3A = arith.constant 1 : i32
        %sub3A_169 = arith.subi %scan3A_123, %sub3A : i32
        %sub3A_170 = arith.constant 1 : i32
        %sub3A_171 = arith.subi %sub3A_170, %rem3A_125 : i32
        %rem3A_172 = arith.constant 3 : i32
        %rem3A_173 = arith.remsi %sub3A_169, %rem3A_172 : i32
        %dma_wait3A_174 = arith.constant 0 : i32
        %dma_wait3A_175 = arith.constant 0 : i32
        %dma_wait3A_176 = tpu.memref_slice %arg9[%sub3A_171, %dma_wait3A_174, %dma_wait3A_175] : memref<2x80x128xf32, #tpu.memory_space<vmem>> -> memref<1x80x128xf32, #tpu.memory_space<vmem>>
        %dma_wait3A_177 = tpu.memref_squeeze %dma_wait3A_176 : memref<1x80x128xf32, #tpu.memory_space<vmem>> -> memref<80x128xf32, #tpu.memory_space<vmem>>
        %dma_wait3A_178 = arith.constant 0 : i32
        %dma_wait3A_179 = tpu.memref_slice %arg8[%rem3A_173, %dma_wait3A_178] : memref<3x80xi32, #tpu.memory_space<vmem>> -> memref<1x80xi32, #tpu.memory_space<vmem>>
        %dma_wait3A_180 = tpu.memref_squeeze %dma_wait3A_179 : memref<1x80xi32, #tpu.memory_space<vmem>> -> memref<80xi32, #tpu.memory_space<vmem>>
        %dma_wait3A_181 = arith.constant 0 : i32
        %dma_wait3A_182 = arith.constant 0 : i32
        %dma_wait3A_183 = tpu.memref_slice %arg10[%dma_wait3A_181, %dma_wait3A_182] : memref<10240x128xf32, #tpu.memory_space<vmem_shared>> -> memref<10240x128xf32, #tpu.memory_space<vmem_shared>>
        %dma_wait3A_184 = tpu.memref_slice %arg13[%sub3A_171] : memref<2x!tpu.dma_semaphore, #tpu.memory_space<semaphore_mem>> -> memref<1x!tpu.dma_semaphore, #tpu.memory_space<semaphore_mem>>
        %dma_wait3A_185 = tpu.memref_squeeze %dma_wait3A_184 : memref<1x!tpu.dma_semaphore, #tpu.memory_space<semaphore_mem>> -> memref<!tpu.dma_semaphore, #tpu.memory_space<semaphore_mem>>
        tpu.wait_indirect_dma semaphore(%dma_wait3A_185 : memref<!tpu.dma_semaphore, #tpu.memory_space<semaphore_mem>>) src(%dma_wait3A_177 : memref<80x128xf32, #tpu.memory_space<vmem>>) dst(%dma_wait3A_183 : memref<10240x128xf32, #tpu.memory_space<vmem_shared>>)
      } else {
      }
      %add3A_128 = arith.constant 2 : i32
      %add3A_129 = arith.addi %scan3A_123, %add3A_128 : i32
      %lt3A = arith.constant 125 : i32
      %lt3A_130 = arith.cmpi slt, %add3A_129, %lt3A : i32
      %convert_element_type3A_131 = arith.extui %lt3A_130 : i1 to i32
      %cond3A_132 = arith.constant 0 : i32
      %cond3A_133 = arith.cmpi ne, %convert_element_type3A_131, %cond3A_132 : i32
      scf.if %cond3A_133 {
        %add3A_169 = arith.constant 2 : i32
        %add3A_170 = arith.addi %scan3A_123, %add3A_169 : i32
        %add3A_171 = arith.constant 2 : i32
        %add3A_172 = arith.addi %scan3A_123, %add3A_171 : i32
        %rem3A_173 = arith.constant 3 : i32
        %rem3A_174 = arith.remsi %add3A_172, %rem3A_173 : i32
        %mul3A_175 = arith.constant 80 : i32
        %mul3A_176 = arith.muli %add3A_170, %mul3A_175 : i32
        %add3A_177 = arith.addi %mul3A_4, %mul3A_176 : i32
        %multiple_of3A_178 = tpu.assume_multiple %add3A_177, 8 : i32
        %dma_start3A_179 = arith.constant 0 : i32
        %dma_start3A_180 = tpu.memref_slice %arg7[%rem3A_174, %dma_start3A_179] : memref<3x80xi32, #tpu.memory_space<vmem>> -> memref<1x80xi32, #tpu.memory_space<vmem>>
        %dma_start3A_181 = tpu.memref_squeeze %dma_start3A_180 : memref<1x80xi32, #tpu.memory_space<vmem>> -> memref<80xi32, #tpu.memory_space<vmem>>
        %dma_start3A_182 = tpu.memref_slice %arg3[%multiple_of3A_178] : memref<320000xi32, #tpu.memory_space<hbm>> -> memref<80xi32, #tpu.memory_space<hbm>>
        %dma_start3A_183 = tpu.memref_slice %arg11[%rem3A_174] : memref<3x!tpu.dma_semaphore, #tpu.memory_space<semaphore_mem>> -> memref<1x!tpu.dma_semaphore, #tpu.memory_space<semaphore_mem>>
        %dma_start3A_184 = tpu.memref_squeeze %dma_start3A_183 : memref<1x!tpu.dma_semaphore, #tpu.memory_space<semaphore_mem>> -> memref<!tpu.dma_semaphore, #tpu.memory_space<semaphore_mem>>
        %dma_start3A_185 = arith.constant 0 : i32
        %dma_start3A_186 = tpu.memref_slice %arg7[%rem3A_174, %dma_start3A_185] : memref<3x80xi32, #tpu.memory_space<vmem>> -> memref<1x80xi32, #tpu.memory_space<vmem>>
        %dma_start3A_187 = tpu.memref_squeeze %dma_start3A_186 : memref<1x80xi32, #tpu.memory_space<vmem>> -> memref<80xi32, #tpu.memory_space<vmem>>
        %dma_start3A_188 = tpu.memref_slice %arg3[%multiple_of3A_178] : memref<320000xi32, #tpu.memory_space<hbm>> -> memref<80xi32, #tpu.memory_space<hbm>>
        tpu.enqueue_dma source(%dma_start3A_188 : memref<80xi32, #tpu.memory_space<hbm>>) target(%dma_start3A_187 : memref<80xi32, #tpu.memory_space<vmem>>) target_semaphore(%dma_start3A_184 : memref<!tpu.dma_semaphore, #tpu.memory_space<semaphore_mem>>)
        %dma_start3A_189 = arith.constant 0 : i32
        %dma_start3A_190 = tpu.memref_slice %arg8[%rem3A_174, %dma_start3A_189] : memref<3x80xi32, #tpu.memory_space<vmem>> -> memref<1x80xi32, #tpu.memory_space<vmem>>
        %dma_start3A_191 = tpu.memref_squeeze %dma_start3A_190 : memref<1x80xi32, #tpu.memory_space<vmem>> -> memref<80xi32, #tpu.memory_space<vmem>>
        %dma_start3A_192 = tpu.memref_slice %arg4[%multiple_of3A_178] : memref<320000xi32, #tpu.memory_space<hbm>> -> memref<80xi32, #tpu.memory_space<hbm>>
        %dma_start3A_193 = tpu.memref_slice %arg11[%rem3A_174] : memref<3x!tpu.dma_semaphore, #tpu.memory_space<semaphore_mem>> -> memref<1x!tpu.dma_semaphore, #tpu.memory_space<semaphore_mem>>
        %dma_start3A_194 = tpu.memref_squeeze %dma_start3A_193 : memref<1x!tpu.dma_semaphore, #tpu.memory_space<semaphore_mem>> -> memref<!tpu.dma_semaphore, #tpu.memory_space<semaphore_mem>>
        %dma_start3A_195 = arith.constant 0 : i32
        %dma_start3A_196 = tpu.memref_slice %arg8[%rem3A_174, %dma_start3A_195] : memref<3x80xi32, #tpu.memory_space<vmem>> -> memref<1x80xi32, #tpu.memory_space<vmem>>
        %dma_start3A_197 = tpu.memref_squeeze %dma_start3A_196 : memref<1x80xi32, #tpu.memory_space<vmem>> -> memref<80xi32, #tpu.memory_space<vmem>>
        %dma_start3A_198 = tpu.memref_slice %arg4[%multiple_of3A_178] : memref<320000xi32, #tpu.memory_space<hbm>> -> memref<80xi32, #tpu.memory_space<hbm>>
        tpu.enqueue_dma source(%dma_start3A_198 : memref<80xi32, #tpu.memory_space<hbm>>) target(%dma_start3A_197 : memref<80xi32, #tpu.memory_space<vmem>>) target_semaphore(%dma_start3A_194 : memref<!tpu.dma_semaphore, #tpu.memory_space<semaphore_mem>>)
      } else {
      }
      %add3A_134 = arith.constant 1 : i32
      %add3A_135 = arith.addi %scan3A_123, %add3A_134 : i32
      %lt3A_136 = arith.constant 125 : i32
      %lt3A_137 = arith.cmpi slt, %add3A_135, %lt3A_136 : i32
      %convert_element_type3A_138 = arith.extui %lt3A_137 : i1 to i32
      %cond3A_139 = arith.constant 0 : i32
      %cond3A_140 = arith.cmpi ne, %convert_element_type3A_138, %cond3A_139 : i32
      scf.if %cond3A_140 {
        %add3A_169 = arith.constant 1 : i32
        %add3A_170 = arith.addi %scan3A_123, %add3A_169 : i32
        %rem3A_171 = arith.constant 3 : i32
        %rem3A_172 = arith.remsi %add3A_170, %rem3A_171 : i32
        %dma_wait3A_173 = arith.constant 0 : i32
        %dma_wait3A_174 = tpu.memref_slice %arg7[%rem3A_172, %dma_wait3A_173] : memref<3x80xi32, #tpu.memory_space<vmem>> -> memref<1x80xi32, #tpu.memory_space<vmem>>
        %dma_wait3A_175 = tpu.memref_squeeze %dma_wait3A_174 : memref<1x80xi32, #tpu.memory_space<vmem>> -> memref<80xi32, #tpu.memory_space<vmem>>
        %dma_wait3A_176 = arith.constant 0 : i32
        %dma_wait3A_177 = tpu.memref_slice %arg3[%dma_wait3A_176] : memref<320000xi32, #tpu.memory_space<hbm>> -> memref<80xi32, #tpu.memory_space<hbm>>
        %dma_wait3A_178 = tpu.memref_slice %arg11[%rem3A_172] : memref<3x!tpu.dma_semaphore, #tpu.memory_space<semaphore_mem>> -> memref<1x!tpu.dma_semaphore, #tpu.memory_space<semaphore_mem>>
        %dma_wait3A_179 = tpu.memref_squeeze %dma_wait3A_178 : memref<1x!tpu.dma_semaphore, #tpu.memory_space<semaphore_mem>> -> memref<!tpu.dma_semaphore, #tpu.memory_space<semaphore_mem>>
        %dma_wait3A_180 = arith.constant 0 : i32
        %dma_wait3A_181 = tpu.memref_slice %arg7[%rem3A_172, %dma_wait3A_180] : memref<3x80xi32, #tpu.memory_space<vmem>> -> memref<1x80xi32, #tpu.memory_space<vmem>>
        %dma_wait3A_182 = tpu.memref_squeeze %dma_wait3A_181 : memref<1x80xi32, #tpu.memory_space<vmem>> -> memref<80xi32, #tpu.memory_space<vmem>>
        %dma_wait3A_183 = arith.constant 0 : i32
        %dma_wait3A_184 = tpu.memref_slice %arg3[%dma_wait3A_183] : memref<320000xi32, #tpu.memory_space<hbm>> -> memref<80xi32, #tpu.memory_space<hbm>>
        tpu.wait_dma2 semaphore(%dma_wait3A_179 : memref<!tpu.dma_semaphore, #tpu.memory_space<semaphore_mem>>) src(%dma_wait3A_184 : memref<80xi32, #tpu.memory_space<hbm>>) dst(%dma_wait3A_182 : memref<80xi32, #tpu.memory_space<vmem>>)
        %dma_wait3A_185 = arith.constant 0 : i32
        %dma_wait3A_186 = tpu.memref_slice %arg8[%rem3A_172, %dma_wait3A_185] : memref<3x80xi32, #tpu.memory_space<vmem>> -> memref<1x80xi32, #tpu.memory_space<vmem>>
        %dma_wait3A_187 = tpu.memref_squeeze %dma_wait3A_186 : memref<1x80xi32, #tpu.memory_space<vmem>> -> memref<80xi32, #tpu.memory_space<vmem>>
        %dma_wait3A_188 = arith.constant 0 : i32
        %dma_wait3A_189 = tpu.memref_slice %arg4[%dma_wait3A_188] : memref<320000xi32, #tpu.memory_space<hbm>> -> memref<80xi32, #tpu.memory_space<hbm>>
        %dma_wait3A_190 = tpu.memref_slice %arg11[%rem3A_172] : memref<3x!tpu.dma_semaphore, #tpu.memory_space<semaphore_mem>> -> memref<1x!tpu.dma_semaphore, #tpu.memory_space<semaphore_mem>>
        %dma_wait3A_191 = tpu.memref_squeeze %dma_wait3A_190 : memref<1x!tpu.dma_semaphore, #tpu.memory_space<semaphore_mem>> -> memref<!tpu.dma_semaphore, #tpu.memory_space<semaphore_mem>>
        %dma_wait3A_192 = arith.constant 0 : i32
        %dma_wait3A_193 = tpu.memref_slice %arg8[%rem3A_172, %dma_wait3A_192] : memref<3x80xi32, #tpu.memory_space<vmem>> -> memref<1x80xi32, #tpu.memory_space<vmem>>
        %dma_wait3A_194 = tpu.memref_squeeze %dma_wait3A_193 : memref<1x80xi32, #tpu.memory_space<vmem>> -> memref<80xi32, #tpu.memory_space<vmem>>
        %dma_wait3A_195 = arith.constant 0 : i32
        %dma_wait3A_196 = tpu.memref_slice %arg4[%dma_wait3A_195] : memref<320000xi32, #tpu.memory_space<hbm>> -> memref<80xi32, #tpu.memory_space<hbm>>
        tpu.wait_dma2 semaphore(%dma_wait3A_191 : memref<!tpu.dma_semaphore, #tpu.memory_space<semaphore_mem>>) src(%dma_wait3A_196 : memref<80xi32, #tpu.memory_space<hbm>>) dst(%dma_wait3A_194 : memref<80xi32, #tpu.memory_space<vmem>>)
        %add3A_197 = arith.constant 1 : i32
        %add3A_198 = arith.addi %scan3A_123, %add3A_197 : i32
        %sub3A = arith.constant 1 : i32
        %sub3A_199 = arith.subi %sub3A, %rem3A_125 : i32
        %rem3A_200 = arith.constant 3 : i32
        %rem3A_201 = arith.remsi %add3A_198, %rem3A_200 : i32
        %dma_start3A_202 = arith.constant 0 : i32
        %dma_start3A_203 = arith.constant 0 : i32
        %dma_start3A_204 = tpu.memref_slice %arg9[%sub3A_199, %dma_start3A_202, %dma_start3A_203] : memref<2x80x128xf32, #tpu.memory_space<vmem>> -> memref<1x80x128xf32, #tpu.memory_space<vmem>>
        %dma_start3A_205 = tpu.memref_squeeze %dma_start3A_204 : memref<1x80x128xf32, #tpu.memory_space<vmem>> -> memref<80x128xf32, #tpu.memory_space<vmem>>
        %dma_start3A_206 = arith.constant 0 : i32
        %dma_start3A_207 = tpu.memref_slice %arg7[%rem3A_201, %dma_start3A_206] : memref<3x80xi32, #tpu.memory_space<vmem>> -> memref<1x80xi32, #tpu.memory_space<vmem>>
        %dma_start3A_208 = tpu.memref_squeeze %dma_start3A_207 : memref<1x80xi32, #tpu.memory_space<vmem>> -> memref<80xi32, #tpu.memory_space<vmem>>
        %dma_start3A_209 = arith.constant 0 : i32
        %dma_start3A_210 = arith.constant 0 : i32
        %dma_start3A_211 = tpu.memref_slice %arg2[%dma_start3A_209, %dma_start3A_210] : memref<10000x128xf32, #tpu.memory_space<hbm>> -> memref<10000x128xf32, #tpu.memory_space<hbm>>
        %dma_start3A_212 = tpu.memref_slice %arg12[%sub3A_199] : memref<2x!tpu.dma_semaphore, #tpu.memory_space<semaphore_mem>> -> memref<1x!tpu.dma_semaphore, #tpu.memory_space<semaphore_mem>>
        %dma_start3A_213 = tpu.memref_squeeze %dma_start3A_212 : memref<1x!tpu.dma_semaphore, #tpu.memory_space<semaphore_mem>> -> memref<!tpu.dma_semaphore, #tpu.memory_space<semaphore_mem>>
        tpu.enqueue_indirect_dma source(%dma_start3A_211 : memref<10000x128xf32, #tpu.memory_space<hbm>>) target(%dma_start3A_205 : memref<80x128xf32, #tpu.memory_space<vmem>>) offsets(%dma_start3A_208 : memref<80xi32, #tpu.memory_space<vmem>>) semaphore(%dma_start3A_213 : memref<!tpu.dma_semaphore, #tpu.memory_space<semaphore_mem>>)
      } else {
      }
      %rem3A_141 = arith.constant 3 : i32
      %rem3A_142 = arith.remsi %scan3A_123, %rem3A_141 : i32
      %dma_wait3A_143 = arith.constant 0 : i32
      %dma_wait3A_144 = arith.constant 0 : i32
      %dma_wait3A_145 = tpu.memref_slice %arg9[%rem3A_125, %dma_wait3A_143, %dma_wait3A_144] : memref<2x80x128xf32, #tpu.memory_space<vmem>> -> memref<1x80x128xf32, #tpu.memory_space<vmem>>
      %dma_wait3A_146 = tpu.memref_squeeze %dma_wait3A_145 : memref<1x80x128xf32, #tpu.memory_space<vmem>> -> memref<80x128xf32, #tpu.memory_space<vmem>>
      %dma_wait3A_147 = arith.constant 0 : i32
      %dma_wait3A_148 = tpu.memref_slice %arg7[%rem3A_142, %dma_wait3A_147] : memref<3x80xi32, #tpu.memory_space<vmem>> -> memref<1x80xi32, #tpu.memory_space<vmem>>
      %dma_wait3A_149 = tpu.memref_squeeze %dma_wait3A_148 : memref<1x80xi32, #tpu.memory_space<vmem>> -> memref<80xi32, #tpu.memory_space<vmem>>
      %dma_wait3A_150 = arith.constant 0 : i32
      %dma_wait3A_151 = arith.constant 0 : i32
      %dma_wait3A_152 = tpu.memref_slice %arg2[%dma_wait3A_150, %dma_wait3A_151] : memref<10000x128xf32, #tpu.memory_space<hbm>> -> memref<10000x128xf32, #tpu.memory_space<hbm>>
      %dma_wait3A_153 = tpu.memref_slice %arg12[%rem3A_125] : memref<2x!tpu.dma_semaphore, #tpu.memory_space<semaphore_mem>> -> memref<1x!tpu.dma_semaphore, #tpu.memory_space<semaphore_mem>>
      %dma_wait3A_154 = tpu.memref_squeeze %dma_wait3A_153 : memref<1x!tpu.dma_semaphore, #tpu.memory_space<semaphore_mem>> -> memref<!tpu.dma_semaphore, #tpu.memory_space<semaphore_mem>>
      tpu.wait_indirect_dma semaphore(%dma_wait3A_154 : memref<!tpu.dma_semaphore, #tpu.memory_space<semaphore_mem>>) src(%dma_wait3A_152 : memref<10000x128xf32, #tpu.memory_space<hbm>>) dst(%dma_wait3A_146 : memref<80x128xf32, #tpu.memory_space<vmem>>)
      %rem3A_155 = arith.constant 3 : i32
      %rem3A_156 = arith.remsi %scan3A_123, %rem3A_155 : i32
      %dma_start3A_157 = arith.constant 0 : i32
      %dma_start3A_158 = arith.constant 0 : i32
      %dma_start3A_159 = tpu.memref_slice %arg9[%rem3A_125, %dma_start3A_157, %dma_start3A_158] : memref<2x80x128xf32, #tpu.memory_space<vmem>> -> memref<1x80x128xf32, #tpu.memory_space<vmem>>
      %dma_start3A_160 = tpu.memref_squeeze %dma_start3A_159 : memref<1x80x128xf32, #tpu.memory_space<vmem>> -> memref<80x128xf32, #tpu.memory_space<vmem>>
      %dma_start3A_161 = arith.constant 0 : i32
      %dma_start3A_162 = tpu.memref_slice %arg8[%rem3A_156, %dma_start3A_161] : memref<3x80xi32, #tpu.memory_space<vmem>> -> memref<1x80xi32, #tpu.memory_space<vmem>>
      %dma_start3A_163 = tpu.memref_squeeze %dma_start3A_162 : memref<1x80xi32, #tpu.memory_space<vmem>> -> memref<80xi32, #tpu.memory_space<vmem>>
      %dma_start3A_164 = arith.constant 0 : i32
      %dma_start3A_165 = arith.constant 0 : i32
      %dma_start3A_166 = tpu.memref_slice %arg10[%dma_start3A_164, %dma_start3A_165] : memref<10240x128xf32, #tpu.memory_space<vmem_shared>> -> memref<10240x128xf32, #tpu.memory_space<vmem_shared>>
      %dma_start3A_167 = tpu.memref_slice %arg13[%rem3A_125] : memref<2x!tpu.dma_semaphore, #tpu.memory_space<semaphore_mem>> -> memref<1x!tpu.dma_semaphore, #tpu.memory_space<semaphore_mem>>
      %dma_start3A_168 = tpu.memref_squeeze %dma_start3A_167 : memref<1x!tpu.dma_semaphore, #tpu.memory_space<semaphore_mem>> -> memref<!tpu.dma_semaphore, #tpu.memory_space<semaphore_mem>>
      tpu.enqueue_indirect_dma source(%dma_start3A_160 : memref<80x128xf32, #tpu.memory_space<vmem>>) target(%dma_start3A_166 : memref<10240x128xf32, #tpu.memory_space<vmem_shared>>) offsets(%dma_start3A_163 : memref<80xi32, #tpu.memory_space<vmem>>) semaphore(%dma_start3A_168 : memref<!tpu.dma_semaphore, #tpu.memory_space<semaphore_mem>>) {add = true}
    }
    %scan3A_104 = arith.constant 125 : i32
    %rem3A_105 = arith.constant 124 : i32
    %rem3A_106 = arith.constant 3 : i32
    %rem3A_107 = arith.remsi %rem3A_105, %rem3A_106 : i32
    %dma_wait3A_108 = arith.constant 0 : i32
    %dma_wait3A_109 = arith.constant 0 : i32
    %dma_wait3A_110 = arith.constant 0 : i32
    %dma_wait3A_111 = arith.constant 0 : i32
    %dma_wait3A_112 = tpu.memref_slice %arg9[%dma_wait3A_108, %dma_wait3A_110, %dma_wait3A_111] : memref<2x80x128xf32, #tpu.memory_space<vmem>> -> memref<1x80x128xf32, #tpu.memory_space<vmem>>
    %dma_wait3A_113 = tpu.memref_squeeze %dma_wait3A_112 : memref<1x80x128xf32, #tpu.memory_space<vmem>> -> memref<80x128xf32, #tpu.memory_space<vmem>>
    %dma_wait3A_114 = arith.constant 0 : i32
    %dma_wait3A_115 = tpu.memref_slice %arg8[%rem3A_107, %dma_wait3A_114] : memref<3x80xi32, #tpu.memory_space<vmem>> -> memref<1x80xi32, #tpu.memory_space<vmem>>
    %dma_wait3A_116 = tpu.memref_squeeze %dma_wait3A_115 : memref<1x80xi32, #tpu.memory_space<vmem>> -> memref<80xi32, #tpu.memory_space<vmem>>
    %dma_wait3A_117 = arith.constant 0 : i32
    %dma_wait3A_118 = arith.constant 0 : i32
    %dma_wait3A_119 = tpu.memref_slice %arg10[%dma_wait3A_117, %dma_wait3A_118] : memref<10240x128xf32, #tpu.memory_space<vmem_shared>> -> memref<10240x128xf32, #tpu.memory_space<vmem_shared>>
    %dma_wait3A_120 = tpu.memref_slice %arg13[%dma_wait3A_109] : memref<2x!tpu.dma_semaphore, #tpu.memory_space<semaphore_mem>> -> memref<1x!tpu.dma_semaphore, #tpu.memory_space<semaphore_mem>>
    %dma_wait3A_121 = tpu.memref_squeeze %dma_wait3A_120 : memref<1x!tpu.dma_semaphore, #tpu.memory_space<semaphore_mem>> -> memref<!tpu.dma_semaphore, #tpu.memory_space<semaphore_mem>>
    tpu.wait_indirect_dma semaphore(%dma_wait3A_121 : memref<!tpu.dma_semaphore, #tpu.memory_space<semaphore_mem>>) src(%dma_wait3A_113 : memref<80x128xf32, #tpu.memory_space<vmem>>) dst(%dma_wait3A_119 : memref<10240x128xf32, #tpu.memory_space<vmem_shared>>)
    %barrier3A_122 = arith.constant 0 : index
    tpu.barrier barrier_id(%barrier3A_122)
    "tpu.region"() ({
      %run_scoped3A = tpu.sem_alloc : memref<!tpu.dma_semaphore, #tpu.memory_space<semaphore_mem>>
      %dma_start3A_123 = arith.constant 0 : i32
      %dma_start3A_124 = arith.constant 0 : i32
      %dma_start3A_125 = tpu.memref_slice %arg6[%arg0, %dma_start3A_123, %dma_start3A_124] : memref<2x10240x128xf32, #tpu.memory_space<hbm>> -> memref<1x10240x128xf32, #tpu.memory_space<hbm>>
      %dma_start3A_126 = tpu.memref_squeeze %dma_start3A_125 : memref<1x10240x128xf32, #tpu.memory_space<hbm>> -> memref<10240x128xf32, #tpu.memory_space<hbm>>
      %dma_start3A_127 = arith.constant 0 : i32
      %dma_start3A_128 = tpu.memref_slice %dma_start3A_126[%mul3A_0, %dma_start3A_127] : memref<10240x128xf32, #tpu.memory_space<hbm>> -> memref<640x128xf32, #tpu.memory_space<hbm>>
      %dma_start3A_129 = arith.constant 0 : i32
      %dma_start3A_130 = tpu.memref_slice %arg10[%mul3A_0, %dma_start3A_129] : memref<10240x128xf32, #tpu.memory_space<vmem_shared>> -> memref<640x128xf32, #tpu.memory_space<vmem_shared>>
      tpu.enqueue_dma source(%dma_start3A_130 : memref<640x128xf32, #tpu.memory_space<vmem_shared>>) target(%dma_start3A_128 : memref<640x128xf32, #tpu.memory_space<hbm>>) target_semaphore(%run_scoped3A : memref<!tpu.dma_semaphore, #tpu.memory_space<semaphore_mem>>)
      %dma_wait3A_131 = arith.constant 0 : i32
      %dma_wait3A_132 = arith.constant 0 : i32
      %dma_wait3A_133 = tpu.memref_slice %arg6[%arg0, %dma_wait3A_131, %dma_wait3A_132] : memref<2x10240x128xf32, #tpu.memory_space<hbm>> -> memref<1x10240x128xf32, #tpu.memory_space<hbm>>
      %dma_wait3A_134 = tpu.memref_squeeze %dma_wait3A_133 : memref<1x10240x128xf32, #tpu.memory_space<hbm>> -> memref<10240x128xf32, #tpu.memory_space<hbm>>
      %dma_wait3A_135 = arith.constant 0 : i32
      %dma_wait3A_136 = tpu.memref_slice %dma_wait3A_134[%mul3A_0, %dma_wait3A_135] : memref<10240x128xf32, #tpu.memory_space<hbm>> -> memref<640x128xf32, #tpu.memory_space<hbm>>
      %dma_wait3A_137 = arith.constant 0 : i32
      %dma_wait3A_138 = tpu.memref_slice %arg10[%mul3A_0, %dma_wait3A_137] : memref<10240x128xf32, #tpu.memory_space<vmem_shared>> -> memref<640x128xf32, #tpu.memory_space<vmem_shared>>
      tpu.wait_dma2 semaphore(%run_scoped3A : memref<!tpu.dma_semaphore, #tpu.memory_space<semaphore_mem>>) src(%dma_wait3A_138 : memref<640x128xf32, #tpu.memory_space<vmem_shared>>) dst(%dma_wait3A_136 : memref<640x128xf32, #tpu.memory_space<hbm>>)
      tpu.yield
    }) : () -> ()
    return
  }
}

#map = affine_map<(d0, d1) -> (0, 0)>
#map1 = affine_map<(d0, d1) -> (0)>
#map2 = affine_map<(d0, d1) -> (0, 0, 0)>
module attributes {stable_mosaic.version = 14 : i64} {
  func.func @_mp_kernel(%arg0: i32, %arg1: i32, %arg2: memref<10000x128xf32, #tpu.memory_space<hbm>>, %arg3: memref<320000xi32, #tpu.memory_space<hbm>>, %arg4: memref<320000xi32, #tpu.memory_space<hbm>>, %arg5: memref<640x128xf32, #tpu.memory_space<hbm>>, %arg6: memref<2x10240x128xf32, #tpu.memory_space<hbm>>, %arg7: memref<3x80xi32, #tpu.memory_space<vmem>>, %arg8: memref<3x80xi32, #tpu.memory_space<vmem>>, %arg9: memref<2x80x128xf32, #tpu.memory_space<vmem>>, %arg10: memref<10240x128xf32, #tpu.memory_space<vmem_shared>>, %arg11: memref<3x!tpu.dma_semaphore, #tpu.memory_space<semaphore_mem>>, %arg12: memref<2x!tpu.dma_semaphore, #tpu.memory_space<semaphore_mem>>, %arg13: memref<2x!tpu.dma_semaphore, #tpu.memory_space<semaphore_mem>>) attributes {dimension_semantics = [#tpu.dimension_semantics<core_parallel>, #tpu.dimension_semantics<subcore_parallel>], iteration_bounds = array<i64: 2, 16>, scalar_prefetch = 0 : i64, scratch_operands = 7 : i64, tpu.core_type = #tpu.core_type<sc_vector_subcore>, window_params = [{transform_indices = #map}, {transform_indices = #map1}, {transform_indices = #map1}, {transform_indices = #map}, {transform_indices = #map2}]} {
    %mul3A = arith.constant 640 : i32
    %mul3A_0 = arith.muli %arg1, %mul3A : i32
    %mul3A_1 = arith.constant 16 : i32
    %mul3A_2 = arith.muli %arg0, %mul3A_1 : i32
    %add3A = arith.addi %mul3A_2, %arg1 : i32
    %mul3A_3 = arith.constant 10000 : i32
    %mul3A_4 = arith.muli %add3A, %mul3A_3 : i32
    "tpu.region"() ({
      %run_scoped3A = tpu.sem_alloc : memref<!tpu.dma_semaphore, #tpu.memory_space<semaphore_mem>>
      %dma_start3A_123 = arith.constant 0 : i32
      %dma_start3A_124 = tpu.memref_slice %arg10[%mul3A_0, %dma_start3A_123] : memref<10240x128xf32, #tpu.memory_space<vmem_shared>> -> memref<640x128xf32, #tpu.memory_space<vmem_shared>>
      tpu.enqueue_dma source(%arg5 : memref<640x128xf32, #tpu.memory_space<hbm>>) target(%dma_start3A_124 : memref<640x128xf32, #tpu.memory_space<vmem_shared>>) target_semaphore(%run_scoped3A : memref<!tpu.dma_semaphore, #tpu.memory_space<semaphore_mem>>)
      %dma_wait3A_125 = arith.constant 0 : i32
      %dma_wait3A_126 = tpu.memref_slice %arg10[%mul3A_0, %dma_wait3A_125] : memref<10240x128xf32, #tpu.memory_space<vmem_shared>> -> memref<640x128xf32, #tpu.memory_space<vmem_shared>>
      tpu.wait_dma2 semaphore(%run_scoped3A : memref<!tpu.dma_semaphore, #tpu.memory_space<semaphore_mem>>) src(%arg5 : memref<640x128xf32, #tpu.memory_space<hbm>>) dst(%dma_wait3A_126 : memref<640x128xf32, #tpu.memory_space<vmem_shared>>)
      tpu.yield
    }) : () -> ()
    %add3A_5 = arith.constant 0 : i32
    %add3A_6 = arith.addi %mul3A_4, %add3A_5 : i32
    %multiple_of3A = tpu.assume_multiple %add3A_6, 8 : i32
    %dma_start3A = arith.constant 0 : i32
    %dma_start3A_7 = arith.constant 0 : i32
    %dma_start3A_8 = arith.constant 0 : i32
    %dma_start3A_9 = tpu.memref_slice %arg7[%dma_start3A, %dma_start3A_8] : memref<3x80xi32, #tpu.memory_space<vmem>> -> memref<1x80xi32, #tpu.memory_space<vmem>>
    %dma_start3A_10 = tpu.memref_squeeze %dma_start3A_9 : memref<1x80xi32, #tpu.memory_space<vmem>> -> memref<80xi32, #tpu.memory_space<vmem>>
    %dma_start3A_11 = tpu.memref_slice %arg3[%multiple_of3A] : memref<320000xi32, #tpu.memory_space<hbm>> -> memref<80xi32, #tpu.memory_space<hbm>>
    %dma_start3A_12 = tpu.memref_slice %arg11[%dma_start3A_7] : memref<3x!tpu.dma_semaphore, #tpu.memory_space<semaphore_mem>> -> memref<1x!tpu.dma_semaphore, #tpu.memory_space<semaphore_mem>>
    %dma_start3A_13 = tpu.memref_squeeze %dma_start3A_12 : memref<1x!tpu.dma_semaphore, #tpu.memory_space<semaphore_mem>> -> memref<!tpu.dma_semaphore, #tpu.memory_space<semaphore_mem>>
    %dma_start3A_14 = arith.constant 0 : i32
    %dma_start3A_15 = tpu.memref_slice %arg7[%dma_start3A, %dma_start3A_14] : memref<3x80xi32, #tpu.memory_space<vmem>> -> memref<1x80xi32, #tpu.memory_space<vmem>>
    %dma_start3A_16 = tpu.memref_squeeze %dma_start3A_15 : memref<1x80xi32, #tpu.memory_space<vmem>> -> memref<80xi32, #tpu.memory_space<vmem>>
    %dma_start3A_17 = tpu.memref_slice %arg3[%multiple_of3A] : memref<320000xi32, #tpu.memory_space<hbm>> -> memref<80xi32, #tpu.memory_space<hbm>>
    tpu.enqueue_dma source(%dma_start3A_17 : memref<80xi32, #tpu.memory_space<hbm>>) target(%dma_start3A_16 : memref<80xi32, #tpu.memory_space<vmem>>) target_semaphore(%dma_start3A_13 : memref<!tpu.dma_semaphore, #tpu.memory_space<semaphore_mem>>)
    %dma_start3A_18 = arith.constant 0 : i32
    %dma_start3A_19 = arith.constant 0 : i32
    %dma_start3A_20 = arith.constant 0 : i32
    %dma_start3A_21 = tpu.memref_slice %arg8[%dma_start3A_18, %dma_start3A_20] : memref<3x80xi32, #tpu.memory_space<vmem>> -> memref<1x80xi32, #tpu.memory_space<vmem>>
    %dma_start3A_22 = tpu.memref_squeeze %dma_start3A_21 : memref<1x80xi32, #tpu.memory_space<vmem>> -> memref<80xi32, #tpu.memory_space<vmem>>
    %dma_start3A_23 = tpu.memref_slice %arg4[%multiple_of3A] : memref<320000xi32, #tpu.memory_space<hbm>> -> memref<80xi32, #tpu.memory_space<hbm>>
    %dma_start3A_24 = tpu.memref_slice %arg11[%dma_start3A_19] : memref<3x!tpu.dma_semaphore, #tpu.memory_space<semaphore_mem>> -> memref<1x!tpu.dma_semaphore, #tpu.memory_space<semaphore_mem>>
    %dma_start3A_25 = tpu.memref_squeeze %dma_start3A_24 : memref<1x!tpu.dma_semaphore, #tpu.memory_space<semaphore_mem>> -> memref<!tpu.dma_semaphore, #tpu.memory_space<semaphore_mem>>
    %dma_start3A_26 = arith.constant 0 : i32
    %dma_start3A_27 = tpu.memref_slice %arg8[%dma_start3A_18, %dma_start3A_26] : memref<3x80xi32, #tpu.memory_space<vmem>> -> memref<1x80xi32, #tpu.memory_space<vmem>>
    %dma_start3A_28 = tpu.memref_squeeze %dma_start3A_27 : memref<1x80xi32, #tpu.memory_space<vmem>> -> memref<80xi32, #tpu.memory_space<vmem>>
    %dma_start3A_29 = tpu.memref_slice %arg4[%multiple_of3A] : memref<320000xi32, #tpu.memory_space<hbm>> -> memref<80xi32, #tpu.memory_space<hbm>>
    tpu.enqueue_dma source(%dma_start3A_29 : memref<80xi32, #tpu.memory_space<hbm>>) target(%dma_start3A_28 : memref<80xi32, #tpu.memory_space<vmem>>) target_semaphore(%dma_start3A_25 : memref<!tpu.dma_semaphore, #tpu.memory_space<semaphore_mem>>)
    %add3A_30 = arith.constant 80 : i32
    %add3A_31 = arith.addi %mul3A_4, %add3A_30 : i32
    %multiple_of3A_32 = tpu.assume_multiple %add3A_31, 8 : i32
    %dma_start3A_33 = arith.constant 1 : i32
    %dma_start3A_34 = arith.constant 1 : i32
    %dma_start3A_35 = arith.constant 0 : i32
    %dma_start3A_36 = tpu.memref_slice %arg7[%dma_start3A_33, %dma_start3A_35] : memref<3x80xi32, #tpu.memory_space<vmem>> -> memref<1x80xi32, #tpu.memory_space<vmem>>
    %dma_start3A_37 = tpu.memref_squeeze %dma_start3A_36 : memref<1x80xi32, #tpu.memory_space<vmem>> -> memref<80xi32, #tpu.memory_space<vmem>>
    %dma_start3A_38 = tpu.memref_slice %arg3[%multiple_of3A_32] : memref<320000xi32, #tpu.memory_space<hbm>> -> memref<80xi32, #tpu.memory_space<hbm>>
    %dma_start3A_39 = tpu.memref_slice %arg11[%dma_start3A_34] : memref<3x!tpu.dma_semaphore, #tpu.memory_space<semaphore_mem>> -> memref<1x!tpu.dma_semaphore, #tpu.memory_space<semaphore_mem>>
    %dma_start3A_40 = tpu.memref_squeeze %dma_start3A_39 : memref<1x!tpu.dma_semaphore, #tpu.memory_space<semaphore_mem>> -> memref<!tpu.dma_semaphore, #tpu.memory_space<semaphore_mem>>
    %dma_start3A_41 = arith.constant 0 : i32
    %dma_start3A_42 = tpu.memref_slice %arg7[%dma_start3A_33, %dma_start3A_41] : memref<3x80xi32, #tpu.memory_space<vmem>> -> memref<1x80xi32, #tpu.memory_space<vmem>>
    %dma_start3A_43 = tpu.memref_squeeze %dma_start3A_42 : memref<1x80xi32, #tpu.memory_space<vmem>> -> memref<80xi32, #tpu.memory_space<vmem>>
    %dma_start3A_44 = tpu.memref_slice %arg3[%multiple_of3A_32] : memref<320000xi32, #tpu.memory_space<hbm>> -> memref<80xi32, #tpu.memory_space<hbm>>
    tpu.enqueue_dma source(%dma_start3A_44 : memref<80xi32, #tpu.memory_space<hbm>>) target(%dma_start3A_43 : memref<80xi32, #tpu.memory_space<vmem>>) target_semaphore(%dma_start3A_40 : memref<!tpu.dma_semaphore, #tpu.memory_space<semaphore_mem>>)
    %dma_start3A_45 = arith.constant 1 : i32
    %dma_start3A_46 = arith.constant 1 : i32
    %dma_start3A_47 = arith.constant 0 : i32
    %dma_start3A_48 = tpu.memref_slice %arg8[%dma_start3A_45, %dma_start3A_47] : memref<3x80xi32, #tpu.memory_space<vmem>> -> memref<1x80xi32, #tpu.memory_space<vmem>>
    %dma_start3A_49 = tpu.memref_squeeze %dma_start3A_48 : memref<1x80xi32, #tpu.memory_space<vmem>> -> memref<80xi32, #tpu.memory_space<vmem>>
    %dma_start3A_50 = tpu.memref_slice %arg4[%multiple_of3A_32] : memref<320000xi32, #tpu.memory_space<hbm>> -> memref<80xi32, #tpu.memory_space<hbm>>
    %dma_start3A_51 = tpu.memref_slice %arg11[%dma_start3A_46] : memref<3x!tpu.dma_semaphore, #tpu.memory_space<semaphore_mem>> -> memref<1x!tpu.dma_semaphore, #tpu.memory_space<semaphore_mem>>
    %dma_start3A_52 = tpu.memref_squeeze %dma_start3A_51 : memref<1x!tpu.dma_semaphore, #tpu.memory_space<semaphore_mem>> -> memref<!tpu.dma_semaphore, #tpu.memory_space<semaphore_mem>>
    %dma_start3A_53 = arith.constant 0 : i32
    %dma_start3A_54 = tpu.memref_slice %arg8[%dma_start3A_45, %dma_start3A_53] : memref<3x80xi32, #tpu.memory_space<vmem>> -> memref<1x80xi32, #tpu.memory_space<vmem>>
    %dma_start3A_55 = tpu.memref_squeeze %dma_start3A_54 : memref<1x80xi32, #tpu.memory_space<vmem>> -> memref<80xi32, #tpu.memory_space<vmem>>
    %dma_start3A_56 = tpu.memref_slice %arg4[%multiple_of3A_32] : memref<320000xi32, #tpu.memory_space<hbm>> -> memref<80xi32, #tpu.memory_space<hbm>>
    tpu.enqueue_dma source(%dma_start3A_56 : memref<80xi32, #tpu.memory_space<hbm>>) target(%dma_start3A_55 : memref<80xi32, #tpu.memory_space<vmem>>) target_semaphore(%dma_start3A_52 : memref<!tpu.dma_semaphore, #tpu.memory_space<semaphore_mem>>)
    %barrier3A = arith.constant 0 : index
    tpu.barrier barrier_id(%barrier3A)
    %dma_wait3A = arith.constant 0 : i32
    %dma_wait3A_57 = arith.constant 0 : i32
    %dma_wait3A_58 = arith.constant 0 : i32
    %dma_wait3A_59 = tpu.memref_slice %arg7[%dma_wait3A, %dma_wait3A_58] : memref<3x80xi32, #tpu.memory_space<vmem>> -> memref<1x80xi32, #tpu.memory_space<vmem>>
    %dma_wait3A_60 = tpu.memref_squeeze %dma_wait3A_59 : memref<1x80xi32, #tpu.memory_space<vmem>> -> memref<80xi32, #tpu.memory_space<vmem>>
    %dma_wait3A_61 = arith.constant 0 : i32
    %dma_wait3A_62 = tpu.memref_slice %arg3[%dma_wait3A_61] : memref<320000xi32, #tpu.memory_space<hbm>> -> memref<80xi32, #tpu.memory_space<hbm>>
    %dma_wait3A_63 = tpu.memref_slice %arg11[%dma_wait3A_57] : memref<3x!tpu.dma_semaphore, #tpu.memory_space<semaphore_mem>> -> memref<1x!tpu.dma_semaphore, #tpu.memory_space<semaphore_mem>>
    %dma_wait3A_64 = tpu.memref_squeeze %dma_wait3A_63 : memref<1x!tpu.dma_semaphore, #tpu.memory_space<semaphore_mem>> -> memref<!tpu.dma_semaphore, #tpu.memory_space<semaphore_mem>>
    %dma_wait3A_65 = arith.constant 0 : i32
    %dma_wait3A_66 = tpu.memref_slice %arg7[%dma_wait3A, %dma_wait3A_65] : memref<3x80xi32, #tpu.memory_space<vmem>> -> memref<1x80xi32, #tpu.memory_space<vmem>>
    %dma_wait3A_67 = tpu.memref_squeeze %dma_wait3A_66 : memref<1x80xi32, #tpu.memory_space<vmem>> -> memref<80xi32, #tpu.memory_space<vmem>>
    %dma_wait3A_68 = arith.constant 0 : i32
    %dma_wait3A_69 = tpu.memref_slice %arg3[%dma_wait3A_68] : memref<320000xi32, #tpu.memory_space<hbm>> -> memref<80xi32, #tpu.memory_space<hbm>>
    tpu.wait_dma2 semaphore(%dma_wait3A_64 : memref<!tpu.dma_semaphore, #tpu.memory_space<semaphore_mem>>) src(%dma_wait3A_69 : memref<80xi32, #tpu.memory_space<hbm>>) dst(%dma_wait3A_67 : memref<80xi32, #tpu.memory_space<vmem>>)
    %dma_wait3A_70 = arith.constant 0 : i32
    %dma_wait3A_71 = arith.constant 0 : i32
    %dma_wait3A_72 = arith.constant 0 : i32
    %dma_wait3A_73 = tpu.memref_slice %arg8[%dma_wait3A_70, %dma_wait3A_72] : memref<3x80xi32, #tpu.memory_space<vmem>> -> memref<1x80xi32, #tpu.memory_space<vmem>>
    %dma_wait3A_74 = tpu.memref_squeeze %dma_wait3A_73 : memref<1x80xi32, #tpu.memory_space<vmem>> -> memref<80xi32, #tpu.memory_space<vmem>>
    %dma_wait3A_75 = arith.constant 0 : i32
    %dma_wait3A_76 = tpu.memref_slice %arg4[%dma_wait3A_75] : memref<320000xi32, #tpu.memory_space<hbm>> -> memref<80xi32, #tpu.memory_space<hbm>>
    %dma_wait3A_77 = tpu.memref_slice %arg11[%dma_wait3A_71] : memref<3x!tpu.dma_semaphore, #tpu.memory_space<semaphore_mem>> -> memref<1x!tpu.dma_semaphore, #tpu.memory_space<semaphore_mem>>
    %dma_wait3A_78 = tpu.memref_squeeze %dma_wait3A_77 : memref<1x!tpu.dma_semaphore, #tpu.memory_space<semaphore_mem>> -> memref<!tpu.dma_semaphore, #tpu.memory_space<semaphore_mem>>
    %dma_wait3A_79 = arith.constant 0 : i32
    %dma_wait3A_80 = tpu.memref_slice %arg8[%dma_wait3A_70, %dma_wait3A_79] : memref<3x80xi32, #tpu.memory_space<vmem>> -> memref<1x80xi32, #tpu.memory_space<vmem>>
    %dma_wait3A_81 = tpu.memref_squeeze %dma_wait3A_80 : memref<1x80xi32, #tpu.memory_space<vmem>> -> memref<80xi32, #tpu.memory_space<vmem>>
    %dma_wait3A_82 = arith.constant 0 : i32
    %dma_wait3A_83 = tpu.memref_slice %arg4[%dma_wait3A_82] : memref<320000xi32, #tpu.memory_space<hbm>> -> memref<80xi32, #tpu.memory_space<hbm>>
    tpu.wait_dma2 semaphore(%dma_wait3A_78 : memref<!tpu.dma_semaphore, #tpu.memory_space<semaphore_mem>>) src(%dma_wait3A_83 : memref<80xi32, #tpu.memory_space<hbm>>) dst(%dma_wait3A_81 : memref<80xi32, #tpu.memory_space<vmem>>)
    %rem3A = arith.constant 0 : i32
    %rem3A_84 = arith.constant 3 : i32
    %rem3A_85 = arith.remsi %rem3A, %rem3A_84 : i32
    %dma_start3A_86 = arith.constant 0 : i32
    %dma_start3A_87 = arith.constant 0 : i32
    %dma_start3A_88 = arith.constant 0 : i32
    %dma_start3A_89 = arith.constant 0 : i32
    %dma_start3A_90 = tpu.memref_slice %arg9[%dma_start3A_86, %dma_start3A_88, %dma_start3A_89] : memref<2x80x128xf32, #tpu.memory_space<vmem>> -> memref<1x80x128xf32, #tpu.memory_space<vmem>>
    %dma_start3A_91 = tpu.memref_squeeze %dma_start3A_90 : memref<1x80x128xf32, #tpu.memory_space<vmem>> -> memref<80x128xf32, #tpu.memory_space<vmem>>
    %dma_start3A_92 = arith.constant 0 : i32
    %dma_start3A_93 = tpu.memref_slice %arg7[%rem3A_85, %dma_start3A_92] : memref<3x80xi32, #tpu.memory_space<vmem>> -> memref<1x80xi32, #tpu.memory_space<vmem>>
    %dma_start3A_94 = tpu.memref_squeeze %dma_start3A_93 : memref<1x80xi32, #tpu.memory_space<vmem>> -> memref<80xi32, #tpu.memory_space<vmem>>
    %dma_start3A_95 = arith.constant 0 : i32
    %dma_start3A_96 = arith.constant 0 : i32
    %dma_start3A_97 = tpu.memref_slice %arg2[%dma_start3A_95, %dma_start3A_96] : memref<10000x128xf32, #tpu.memory_space<hbm>> -> memref<10000x128xf32, #tpu.memory_space<hbm>>
    %dma_start3A_98 = tpu.memref_slice %arg12[%dma_start3A_87] : memref<2x!tpu.dma_semaphore, #tpu.memory_space<semaphore_mem>> -> memref<1x!tpu.dma_semaphore, #tpu.memory_space<semaphore_mem>>
    %dma_start3A_99 = tpu.memref_squeeze %dma_start3A_98 : memref<1x!tpu.dma_semaphore, #tpu.memory_space<semaphore_mem>> -> memref<!tpu.dma_semaphore, #tpu.memory_space<semaphore_mem>>
    tpu.enqueue_indirect_dma source(%dma_start3A_97 : memref<10000x128xf32, #tpu.memory_space<hbm>>) target(%dma_start3A_91 : memref<80x128xf32, #tpu.memory_space<vmem>>) offsets(%dma_start3A_94 : memref<80xi32, #tpu.memory_space<vmem>>) semaphore(%dma_start3A_99 : memref<!tpu.dma_semaphore, #tpu.memory_space<semaphore_mem>>)
    %scan3A = arith.constant 0 : i32
    %scan3A_100 = arith.constant 0 : i32
    %scan3A_101 = arith.constant 125 : i32
    %scan3A_102 = arith.addi %scan3A_100, %scan3A_101 : i32
    %scan3A_103 = arith.constant 1 : i32
    scf.for %scan3A_123 = %scan3A_100 to %scan3A_102 step %scan3A_103  : i32 {
      %rem3A_124 = arith.constant 2 : i32
      %rem3A_125 = arith.remsi %scan3A_123, %rem3A_124 : i32
      %ge3A = arith.constant 1 : i32
      %ge3A_126 = arith.cmpi sge, %scan3A_123, %ge3A : i32
      %convert_element_type3A = arith.extui %ge3A_126 : i1 to i32
      %cond3A = arith.constant 0 : i32
      %cond3A_127 = arith.cmpi ne, %convert_element_type3A, %cond3A : i32
      scf.if %cond3A_127 {
        %sub3A = arith.constant 1 : i32
        %sub3A_169 = arith.subi %scan3A_123, %sub3A : i32
        %sub3A_170 = arith.constant 1 : i32
        %sub3A_171 = arith.subi %sub3A_170, %rem3A_125 : i32
        %rem3A_172 = arith.constant 3 : i32
        %rem3A_173 = arith.remsi %sub3A_169, %rem3A_172 : i32
        %dma_wait3A_174 = arith.constant 0 : i32
        %dma_wait3A_175 = arith.constant 0 : i32
        %dma_wait3A_176 = tpu.memref_slice %arg9[%sub3A_171, %dma_wait3A_174, %dma_wait3A_175] : memref<2x80x128xf32, #tpu.memory_space<vmem>> -> memref<1x80x128xf32, #tpu.memory_space<vmem>>
        %dma_wait3A_177 = tpu.memref_squeeze %dma_wait3A_176 : memref<1x80x128xf32, #tpu.memory_space<vmem>> -> memref<80x128xf32, #tpu.memory_space<vmem>>
        %dma_wait3A_178 = arith.constant 0 : i32
        %dma_wait3A_179 = tpu.memref_slice %arg8[%rem3A_173, %dma_wait3A_178] : memref<3x80xi32, #tpu.memory_space<vmem>> -> memref<1x80xi32, #tpu.memory_space<vmem>>
        %dma_wait3A_180 = tpu.memref_squeeze %dma_wait3A_179 : memref<1x80xi32, #tpu.memory_space<vmem>> -> memref<80xi32, #tpu.memory_space<vmem>>
        %dma_wait3A_181 = arith.constant 0 : i32
        %dma_wait3A_182 = arith.constant 0 : i32
        %dma_wait3A_183 = tpu.memref_slice %arg10[%dma_wait3A_181, %dma_wait3A_182] : memref<10240x128xf32, #tpu.memory_space<vmem_shared>> -> memref<10240x128xf32, #tpu.memory_space<vmem_shared>>
        %dma_wait3A_184 = tpu.memref_slice %arg13[%sub3A_171] : memref<2x!tpu.dma_semaphore, #tpu.memory_space<semaphore_mem>> -> memref<1x!tpu.dma_semaphore, #tpu.memory_space<semaphore_mem>>
        %dma_wait3A_185 = tpu.memref_squeeze %dma_wait3A_184 : memref<1x!tpu.dma_semaphore, #tpu.memory_space<semaphore_mem>> -> memref<!tpu.dma_semaphore, #tpu.memory_space<semaphore_mem>>
        tpu.wait_indirect_dma semaphore(%dma_wait3A_185 : memref<!tpu.dma_semaphore, #tpu.memory_space<semaphore_mem>>) src(%dma_wait3A_177 : memref<80x128xf32, #tpu.memory_space<vmem>>) dst(%dma_wait3A_183 : memref<10240x128xf32, #tpu.memory_space<vmem_shared>>)
      } else {
      }
      %add3A_128 = arith.constant 2 : i32
      %add3A_129 = arith.addi %scan3A_123, %add3A_128 : i32
      %lt3A = arith.constant 125 : i32
      %lt3A_130 = arith.cmpi slt, %add3A_129, %lt3A : i32
      %convert_element_type3A_131 = arith.extui %lt3A_130 : i1 to i32
      %cond3A_132 = arith.constant 0 : i32
      %cond3A_133 = arith.cmpi ne, %convert_element_type3A_131, %cond3A_132 : i32
      scf.if %cond3A_133 {
        %add3A_169 = arith.constant 2 : i32
        %add3A_170 = arith.addi %scan3A_123, %add3A_169 : i32
        %add3A_171 = arith.constant 2 : i32
        %add3A_172 = arith.addi %scan3A_123, %add3A_171 : i32
        %rem3A_173 = arith.constant 3 : i32
        %rem3A_174 = arith.remsi %add3A_172, %rem3A_173 : i32
        %mul3A_175 = arith.constant 80 : i32
        %mul3A_176 = arith.muli %add3A_170, %mul3A_175 : i32
        %add3A_177 = arith.addi %mul3A_4, %mul3A_176 : i32
        %multiple_of3A_178 = tpu.assume_multiple %add3A_177, 8 : i32
        %dma_start3A_179 = arith.constant 0 : i32
        %dma_start3A_180 = tpu.memref_slice %arg7[%rem3A_174, %dma_start3A_179] : memref<3x80xi32, #tpu.memory_space<vmem>> -> memref<1x80xi32, #tpu.memory_space<vmem>>
        %dma_start3A_181 = tpu.memref_squeeze %dma_start3A_180 : memref<1x80xi32, #tpu.memory_space<vmem>> -> memref<80xi32, #tpu.memory_space<vmem>>
        %dma_start3A_182 = tpu.memref_slice %arg3[%multiple_of3A_178] : memref<320000xi32, #tpu.memory_space<hbm>> -> memref<80xi32, #tpu.memory_space<hbm>>
        %dma_start3A_183 = tpu.memref_slice %arg11[%rem3A_174] : memref<3x!tpu.dma_semaphore, #tpu.memory_space<semaphore_mem>> -> memref<1x!tpu.dma_semaphore, #tpu.memory_space<semaphore_mem>>
        %dma_start3A_184 = tpu.memref_squeeze %dma_start3A_183 : memref<1x!tpu.dma_semaphore, #tpu.memory_space<semaphore_mem>> -> memref<!tpu.dma_semaphore, #tpu.memory_space<semaphore_mem>>
        %dma_start3A_185 = arith.constant 0 : i32
        %dma_start3A_186 = tpu.memref_slice %arg7[%rem3A_174, %dma_start3A_185] : memref<3x80xi32, #tpu.memory_space<vmem>> -> memref<1x80xi32, #tpu.memory_space<vmem>>
        %dma_start3A_187 = tpu.memref_squeeze %dma_start3A_186 : memref<1x80xi32, #tpu.memory_space<vmem>> -> memref<80xi32, #tpu.memory_space<vmem>>
        %dma_start3A_188 = tpu.memref_slice %arg3[%multiple_of3A_178] : memref<320000xi32, #tpu.memory_space<hbm>> -> memref<80xi32, #tpu.memory_space<hbm>>
        tpu.enqueue_dma source(%dma_start3A_188 : memref<80xi32, #tpu.memory_space<hbm>>) target(%dma_start3A_187 : memref<80xi32, #tpu.memory_space<vmem>>) target_semaphore(%dma_start3A_184 : memref<!tpu.dma_semaphore, #tpu.memory_space<semaphore_mem>>)
        %dma_start3A_189 = arith.constant 0 : i32
        %dma_start3A_190 = tpu.memref_slice %arg8[%rem3A_174, %dma_start3A_189] : memref<3x80xi32, #tpu.memory_space<vmem>> -> memref<1x80xi32, #tpu.memory_space<vmem>>
        %dma_start3A_191 = tpu.memref_squeeze %dma_start3A_190 : memref<1x80xi32, #tpu.memory_space<vmem>> -> memref<80xi32, #tpu.memory_space<vmem>>
        %dma_start3A_192 = tpu.memref_slice %arg4[%multiple_of3A_178] : memref<320000xi32, #tpu.memory_space<hbm>> -> memref<80xi32, #tpu.memory_space<hbm>>
        %dma_start3A_193 = tpu.memref_slice %arg11[%rem3A_174] : memref<3x!tpu.dma_semaphore, #tpu.memory_space<semaphore_mem>> -> memref<1x!tpu.dma_semaphore, #tpu.memory_space<semaphore_mem>>
        %dma_start3A_194 = tpu.memref_squeeze %dma_start3A_193 : memref<1x!tpu.dma_semaphore, #tpu.memory_space<semaphore_mem>> -> memref<!tpu.dma_semaphore, #tpu.memory_space<semaphore_mem>>
        %dma_start3A_195 = arith.constant 0 : i32
        %dma_start3A_196 = tpu.memref_slice %arg8[%rem3A_174, %dma_start3A_195] : memref<3x80xi32, #tpu.memory_space<vmem>> -> memref<1x80xi32, #tpu.memory_space<vmem>>
        %dma_start3A_197 = tpu.memref_squeeze %dma_start3A_196 : memref<1x80xi32, #tpu.memory_space<vmem>> -> memref<80xi32, #tpu.memory_space<vmem>>
        %dma_start3A_198 = tpu.memref_slice %arg4[%multiple_of3A_178] : memref<320000xi32, #tpu.memory_space<hbm>> -> memref<80xi32, #tpu.memory_space<hbm>>
        tpu.enqueue_dma source(%dma_start3A_198 : memref<80xi32, #tpu.memory_space<hbm>>) target(%dma_start3A_197 : memref<80xi32, #tpu.memory_space<vmem>>) target_semaphore(%dma_start3A_194 : memref<!tpu.dma_semaphore, #tpu.memory_space<semaphore_mem>>)
      } else {
      }
      %add3A_134 = arith.constant 1 : i32
      %add3A_135 = arith.addi %scan3A_123, %add3A_134 : i32
      %lt3A_136 = arith.constant 125 : i32
      %lt3A_137 = arith.cmpi slt, %add3A_135, %lt3A_136 : i32
      %convert_element_type3A_138 = arith.extui %lt3A_137 : i1 to i32
      %cond3A_139 = arith.constant 0 : i32
      %cond3A_140 = arith.cmpi ne, %convert_element_type3A_138, %cond3A_139 : i32
      scf.if %cond3A_140 {
        %add3A_169 = arith.constant 1 : i32
        %add3A_170 = arith.addi %scan3A_123, %add3A_169 : i32
        %rem3A_171 = arith.constant 3 : i32
        %rem3A_172 = arith.remsi %add3A_170, %rem3A_171 : i32
        %dma_wait3A_173 = arith.constant 0 : i32
        %dma_wait3A_174 = tpu.memref_slice %arg7[%rem3A_172, %dma_wait3A_173] : memref<3x80xi32, #tpu.memory_space<vmem>> -> memref<1x80xi32, #tpu.memory_space<vmem>>
        %dma_wait3A_175 = tpu.memref_squeeze %dma_wait3A_174 : memref<1x80xi32, #tpu.memory_space<vmem>> -> memref<80xi32, #tpu.memory_space<vmem>>
        %dma_wait3A_176 = arith.constant 0 : i32
        %dma_wait3A_177 = tpu.memref_slice %arg3[%dma_wait3A_176] : memref<320000xi32, #tpu.memory_space<hbm>> -> memref<80xi32, #tpu.memory_space<hbm>>
        %dma_wait3A_178 = tpu.memref_slice %arg11[%rem3A_172] : memref<3x!tpu.dma_semaphore, #tpu.memory_space<semaphore_mem>> -> memref<1x!tpu.dma_semaphore, #tpu.memory_space<semaphore_mem>>
        %dma_wait3A_179 = tpu.memref_squeeze %dma_wait3A_178 : memref<1x!tpu.dma_semaphore, #tpu.memory_space<semaphore_mem>> -> memref<!tpu.dma_semaphore, #tpu.memory_space<semaphore_mem>>
        %dma_wait3A_180 = arith.constant 0 : i32
        %dma_wait3A_181 = tpu.memref_slice %arg7[%rem3A_172, %dma_wait3A_180] : memref<3x80xi32, #tpu.memory_space<vmem>> -> memref<1x80xi32, #tpu.memory_space<vmem>>
        %dma_wait3A_182 = tpu.memref_squeeze %dma_wait3A_181 : memref<1x80xi32, #tpu.memory_space<vmem>> -> memref<80xi32, #tpu.memory_space<vmem>>
        %dma_wait3A_183 = arith.constant 0 : i32
        %dma_wait3A_184 = tpu.memref_slice %arg3[%dma_wait3A_183] : memref<320000xi32, #tpu.memory_space<hbm>> -> memref<80xi32, #tpu.memory_space<hbm>>
        tpu.wait_dma2 semaphore(%dma_wait3A_179 : memref<!tpu.dma_semaphore, #tpu.memory_space<semaphore_mem>>) src(%dma_wait3A_184 : memref<80xi32, #tpu.memory_space<hbm>>) dst(%dma_wait3A_182 : memref<80xi32, #tpu.memory_space<vmem>>)
        %dma_wait3A_185 = arith.constant 0 : i32
        %dma_wait3A_186 = tpu.memref_slice %arg8[%rem3A_172, %dma_wait3A_185] : memref<3x80xi32, #tpu.memory_space<vmem>> -> memref<1x80xi32, #tpu.memory_space<vmem>>
        %dma_wait3A_187 = tpu.memref_squeeze %dma_wait3A_186 : memref<1x80xi32, #tpu.memory_space<vmem>> -> memref<80xi32, #tpu.memory_space<vmem>>
        %dma_wait3A_188 = arith.constant 0 : i32
        %dma_wait3A_189 = tpu.memref_slice %arg4[%dma_wait3A_188] : memref<320000xi32, #tpu.memory_space<hbm>> -> memref<80xi32, #tpu.memory_space<hbm>>
        %dma_wait3A_190 = tpu.memref_slice %arg11[%rem3A_172] : memref<3x!tpu.dma_semaphore, #tpu.memory_space<semaphore_mem>> -> memref<1x!tpu.dma_semaphore, #tpu.memory_space<semaphore_mem>>
        %dma_wait3A_191 = tpu.memref_squeeze %dma_wait3A_190 : memref<1x!tpu.dma_semaphore, #tpu.memory_space<semaphore_mem>> -> memref<!tpu.dma_semaphore, #tpu.memory_space<semaphore_mem>>
        %dma_wait3A_192 = arith.constant 0 : i32
        %dma_wait3A_193 = tpu.memref_slice %arg8[%rem3A_172, %dma_wait3A_192] : memref<3x80xi32, #tpu.memory_space<vmem>> -> memref<1x80xi32, #tpu.memory_space<vmem>>
        %dma_wait3A_194 = tpu.memref_squeeze %dma_wait3A_193 : memref<1x80xi32, #tpu.memory_space<vmem>> -> memref<80xi32, #tpu.memory_space<vmem>>
        %dma_wait3A_195 = arith.constant 0 : i32
        %dma_wait3A_196 = tpu.memref_slice %arg4[%dma_wait3A_195] : memref<320000xi32, #tpu.memory_space<hbm>> -> memref<80xi32, #tpu.memory_space<hbm>>
        tpu.wait_dma2 semaphore(%dma_wait3A_191 : memref<!tpu.dma_semaphore, #tpu.memory_space<semaphore_mem>>) src(%dma_wait3A_196 : memref<80xi32, #tpu.memory_space<hbm>>) dst(%dma_wait3A_194 : memref<80xi32, #tpu.memory_space<vmem>>)
        %add3A_197 = arith.constant 1 : i32
        %add3A_198 = arith.addi %scan3A_123, %add3A_197 : i32
        %sub3A = arith.constant 1 : i32
        %sub3A_199 = arith.subi %sub3A, %rem3A_125 : i32
        %rem3A_200 = arith.constant 3 : i32
        %rem3A_201 = arith.remsi %add3A_198, %rem3A_200 : i32
        %dma_start3A_202 = arith.constant 0 : i32
        %dma_start3A_203 = arith.constant 0 : i32
        %dma_start3A_204 = tpu.memref_slice %arg9[%sub3A_199, %dma_start3A_202, %dma_start3A_203] : memref<2x80x128xf32, #tpu.memory_space<vmem>> -> memref<1x80x128xf32, #tpu.memory_space<vmem>>
        %dma_start3A_205 = tpu.memref_squeeze %dma_start3A_204 : memref<1x80x128xf32, #tpu.memory_space<vmem>> -> memref<80x128xf32, #tpu.memory_space<vmem>>
        %dma_start3A_206 = arith.constant 0 : i32
        %dma_start3A_207 = tpu.memref_slice %arg7[%rem3A_201, %dma_start3A_206] : memref<3x80xi32, #tpu.memory_space<vmem>> -> memref<1x80xi32, #tpu.memory_space<vmem>>
        %dma_start3A_208 = tpu.memref_squeeze %dma_start3A_207 : memref<1x80xi32, #tpu.memory_space<vmem>> -> memref<80xi32, #tpu.memory_space<vmem>>
        %dma_start3A_209 = arith.constant 0 : i32
        %dma_start3A_210 = arith.constant 0 : i32
        %dma_start3A_211 = tpu.memref_slice %arg2[%dma_start3A_209, %dma_start3A_210] : memref<10000x128xf32, #tpu.memory_space<hbm>> -> memref<10000x128xf32, #tpu.memory_space<hbm>>
        %dma_start3A_212 = tpu.memref_slice %arg12[%sub3A_199] : memref<2x!tpu.dma_semaphore, #tpu.memory_space<semaphore_mem>> -> memref<1x!tpu.dma_semaphore, #tpu.memory_space<semaphore_mem>>
        %dma_start3A_213 = tpu.memref_squeeze %dma_start3A_212 : memref<1x!tpu.dma_semaphore, #tpu.memory_space<semaphore_mem>> -> memref<!tpu.dma_semaphore, #tpu.memory_space<semaphore_mem>>
        tpu.enqueue_indirect_dma source(%dma_start3A_211 : memref<10000x128xf32, #tpu.memory_space<hbm>>) target(%dma_start3A_205 : memref<80x128xf32, #tpu.memory_space<vmem>>) offsets(%dma_start3A_208 : memref<80xi32, #tpu.memory_space<vmem>>) semaphore(%dma_start3A_213 : memref<!tpu.dma_semaphore, #tpu.memory_space<semaphore_mem>>)
      } else {
      }
      %rem3A_141 = arith.constant 3 : i32
      %rem3A_142 = arith.remsi %scan3A_123, %rem3A_141 : i32
      %dma_wait3A_143 = arith.constant 0 : i32
      %dma_wait3A_144 = arith.constant 0 : i32
      %dma_wait3A_145 = tpu.memref_slice %arg9[%rem3A_125, %dma_wait3A_143, %dma_wait3A_144] : memref<2x80x128xf32, #tpu.memory_space<vmem>> -> memref<1x80x128xf32, #tpu.memory_space<vmem>>
      %dma_wait3A_146 = tpu.memref_squeeze %dma_wait3A_145 : memref<1x80x128xf32, #tpu.memory_space<vmem>> -> memref<80x128xf32, #tpu.memory_space<vmem>>
      %dma_wait3A_147 = arith.constant 0 : i32
      %dma_wait3A_148 = tpu.memref_slice %arg7[%rem3A_142, %dma_wait3A_147] : memref<3x80xi32, #tpu.memory_space<vmem>> -> memref<1x80xi32, #tpu.memory_space<vmem>>
      %dma_wait3A_149 = tpu.memref_squeeze %dma_wait3A_148 : memref<1x80xi32, #tpu.memory_space<vmem>> -> memref<80xi32, #tpu.memory_space<vmem>>
      %dma_wait3A_150 = arith.constant 0 : i32
      %dma_wait3A_151 = arith.constant 0 : i32
      %dma_wait3A_152 = tpu.memref_slice %arg2[%dma_wait3A_150, %dma_wait3A_151] : memref<10000x128xf32, #tpu.memory_space<hbm>> -> memref<10000x128xf32, #tpu.memory_space<hbm>>
      %dma_wait3A_153 = tpu.memref_slice %arg12[%rem3A_125] : memref<2x!tpu.dma_semaphore, #tpu.memory_space<semaphore_mem>> -> memref<1x!tpu.dma_semaphore, #tpu.memory_space<semaphore_mem>>
      %dma_wait3A_154 = tpu.memref_squeeze %dma_wait3A_153 : memref<1x!tpu.dma_semaphore, #tpu.memory_space<semaphore_mem>> -> memref<!tpu.dma_semaphore, #tpu.memory_space<semaphore_mem>>
      tpu.wait_indirect_dma semaphore(%dma_wait3A_154 : memref<!tpu.dma_semaphore, #tpu.memory_space<semaphore_mem>>) src(%dma_wait3A_152 : memref<10000x128xf32, #tpu.memory_space<hbm>>) dst(%dma_wait3A_146 : memref<80x128xf32, #tpu.memory_space<vmem>>)
      %rem3A_155 = arith.constant 3 : i32
      %rem3A_156 = arith.remsi %scan3A_123, %rem3A_155 : i32
      %dma_start3A_157 = arith.constant 0 : i32
      %dma_start3A_158 = arith.constant 0 : i32
      %dma_start3A_159 = tpu.memref_slice %arg9[%rem3A_125, %dma_start3A_157, %dma_start3A_158] : memref<2x80x128xf32, #tpu.memory_space<vmem>> -> memref<1x80x128xf32, #tpu.memory_space<vmem>>
      %dma_start3A_160 = tpu.memref_squeeze %dma_start3A_159 : memref<1x80x128xf32, #tpu.memory_space<vmem>> -> memref<80x128xf32, #tpu.memory_space<vmem>>
      %dma_start3A_161 = arith.constant 0 : i32
      %dma_start3A_162 = tpu.memref_slice %arg8[%rem3A_156, %dma_start3A_161] : memref<3x80xi32, #tpu.memory_space<vmem>> -> memref<1x80xi32, #tpu.memory_space<vmem>>
      %dma_start3A_163 = tpu.memref_squeeze %dma_start3A_162 : memref<1x80xi32, #tpu.memory_space<vmem>> -> memref<80xi32, #tpu.memory_space<vmem>>
      %dma_start3A_164 = arith.constant 0 : i32
      %dma_start3A_165 = arith.constant 0 : i32
      %dma_start3A_166 = tpu.memref_slice %arg10[%dma_start3A_164, %dma_start3A_165] : memref<10240x128xf32, #tpu.memory_space<vmem_shared>> -> memref<10240x128xf32, #tpu.memory_space<vmem_shared>>
      %dma_start3A_167 = tpu.memref_slice %arg13[%rem3A_125] : memref<2x!tpu.dma_semaphore, #tpu.memory_space<semaphore_mem>> -> memref<1x!tpu.dma_semaphore, #tpu.memory_space<semaphore_mem>>
      %dma_start3A_168 = tpu.memref_squeeze %dma_start3A_167 : memref<1x!tpu.dma_semaphore, #tpu.memory_space<semaphore_mem>> -> memref<!tpu.dma_semaphore, #tpu.memory_space<semaphore_mem>>
      tpu.enqueue_indirect_dma source(%dma_start3A_160 : memref<80x128xf32, #tpu.memory_space<vmem>>) target(%dma_start3A_166 : memref<10240x128xf32, #tpu.memory_space<vmem_shared>>) offsets(%dma_start3A_163 : memref<80xi32, #tpu.memory_space<vmem>>) semaphore(%dma_start3A_168 : memref<!tpu.dma_semaphore, #tpu.memory_space<semaphore_mem>>) {add = true}
    }
    %scan3A_104 = arith.constant 125 : i32
    %rem3A_105 = arith.constant 124 : i32
    %rem3A_106 = arith.constant 3 : i32
    %rem3A_107 = arith.remsi %rem3A_105, %rem3A_106 : i32
    %dma_wait3A_108 = arith.constant 0 : i32
    %dma_wait3A_109 = arith.constant 0 : i32
    %dma_wait3A_110 = arith.constant 0 : i32
    %dma_wait3A_111 = arith.constant 0 : i32
    %dma_wait3A_112 = tpu.memref_slice %arg9[%dma_wait3A_108, %dma_wait3A_110, %dma_wait3A_111] : memref<2x80x128xf32, #tpu.memory_space<vmem>> -> memref<1x80x128xf32, #tpu.memory_space<vmem>>
    %dma_wait3A_113 = tpu.memref_squeeze %dma_wait3A_112 : memref<1x80x128xf32, #tpu.memory_space<vmem>> -> memref<80x128xf32, #tpu.memory_space<vmem>>
    %dma_wait3A_114 = arith.constant 0 : i32
    %dma_wait3A_115 = tpu.memref_slice %arg8[%rem3A_107, %dma_wait3A_114] : memref<3x80xi32, #tpu.memory_space<vmem>> -> memref<1x80xi32, #tpu.memory_space<vmem>>
    %dma_wait3A_116 = tpu.memref_squeeze %dma_wait3A_115 : memref<1x80xi32, #tpu.memory_space<vmem>> -> memref<80xi32, #tpu.memory_space<vmem>>
    %dma_wait3A_117 = arith.constant 0 : i32
    %dma_wait3A_118 = arith.constant 0 : i32
    %dma_wait3A_119 = tpu.memref_slice %arg10[%dma_wait3A_117, %dma_wait3A_118] : memref<10240x128xf32, #tpu.memory_space<vmem_shared>> -> memref<10240x128xf32, #tpu.memory_space<vmem_shared>>
    %dma_wait3A_120 = tpu.memref_slice %arg13[%dma_wait3A_109] : memref<2x!tpu.dma_semaphore, #tpu.memory_space<semaphore_mem>> -> memref<1x!tpu.dma_semaphore, #tpu.memory_space<semaphore_mem>>
    %dma_wait3A_121 = tpu.memref_squeeze %dma_wait3A_120 : memref<1x!tpu.dma_semaphore, #tpu.memory_space<semaphore_mem>> -> memref<!tpu.dma_semaphore, #tpu.memory_space<semaphore_mem>>
    tpu.wait_indirect_dma semaphore(%dma_wait3A_121 : memref<!tpu.dma_semaphore, #tpu.memory_space<semaphore_mem>>) src(%dma_wait3A_113 : memref<80x128xf32, #tpu.memory_space<vmem>>) dst(%dma_wait3A_119 : memref<10240x128xf32, #tpu.memory_space<vmem_shared>>)
    %barrier3A_122 = arith.constant 0 : index
    tpu.barrier barrier_id(%barrier3A_122)
    "tpu.region"() ({
      %run_scoped3A = tpu.sem_alloc : memref<!tpu.dma_semaphore, #tpu.memory_space<semaphore_mem>>
      %dma_start3A_123 = arith.constant 0 : i32
      %dma_start3A_124 = arith.constant 0 : i32
      %dma_start3A_125 = tpu.memref_slice %arg6[%arg0, %dma_start3A_123, %dma_start3A_124] : memref<2x10240x128xf32, #tpu.memory_space<hbm>> -> memref<1x10240x128xf32, #tpu.memory_space<hbm>>
      %dma_start3A_126 = tpu.memref_squeeze %dma_start3A_125 : memref<1x10240x128xf32, #tpu.memory_space<hbm>> -> memref<10240x128xf32, #tpu.memory_space<hbm>>
      %dma_start3A_127 = arith.constant 0 : i32
      %dma_start3A_128 = tpu.memref_slice %dma_start3A_126[%mul3A_0, %dma_start3A_127] : memref<10240x128xf32, #tpu.memory_space<hbm>> -> memref<640x128xf32, #tpu.memory_space<hbm>>
      %dma_start3A_129 = arith.constant 0 : i32
      %dma_start3A_130 = tpu.memref_slice %arg10[%mul3A_0, %dma_start3A_129] : memref<10240x128xf32, #tpu.memory_space<vmem_shared>> -> memref<640x128xf32, #tpu.memory_space<vmem_shared>>
      tpu.enqueue_dma source(%dma_start3A_130 : memref<640x128xf32, #tpu.memory_space<vmem_shared>>) target(%dma_start3A_128 : memref<640x128xf32, #tpu.memory_space<hbm>>) target_semaphore(%run_scoped3A : memref<!tpu.dma_semaphore, #tpu.memory_space<semaphore_mem>>)
      %dma_wait3A_131 = arith.constant 0 : i32
      %dma_wait3A_132 = arith.constant 0 : i32
      %dma_wait3A_133 = tpu.memref_slice %arg6[%arg0, %dma_wait3A_131, %dma_wait3A_132] : memref<2x10240x128xf32, #tpu.memory_space<hbm>> -> memref<1x10240x128xf32, #tpu.memory_space<hbm>>
      %dma_wait3A_134 = tpu.memref_squeeze %dma_wait3A_133 : memref<1x10240x128xf32, #tpu.memory_space<hbm>> -> memref<10240x128xf32, #tpu.memory_space<hbm>>
      %dma_wait3A_135 = arith.constant 0 : i32
      %dma_wait3A_136 = tpu.memref_slice %dma_wait3A_134[%mul3A_0, %dma_wait3A_135] : memref<10240x128xf32, #tpu.memory_space<hbm>> -> memref<640x128xf32, #tpu.memory_space<hbm>>
      %dma_wait3A_137 = arith.constant 0 : i32
      %dma_wait3A_138 = tpu.memref_slice %arg10[%mul3A_0, %dma_wait3A_137] : memref<10240x128xf32, #tpu.memory_space<vmem_shared>> -> memref<640x128xf32, #tpu.memory_space<vmem_shared>>
      tpu.wait_dma2 semaphore(%run_scoped3A : memref<!tpu.dma_semaphore, #tpu.memory_space<semaphore_mem>>) src(%dma_wait3A_138 : memref<640x128xf32, #tpu.memory_space<vmem_shared>>) dst(%dma_wait3A_136 : memref<640x128xf32, #tpu.memory_space<hbm>>)
      tpu.yield
    }) : () -> ()
    return
  }
}

#map = affine_map<(d0, d1) -> (0, 0, 0)>
#map1 = affine_map<(d0, d1) -> (0, 0)>
module attributes {stable_mosaic.version = 14 : i64} {
  func.func @_count_kernel(%arg0: i32, %arg1: i32, %arg2: memref<32x125x80xi32, #tpu.memory_space<hbm>>, %arg3: memref<80x128xf32, #tpu.memory_space<hbm>>, %arg4: memref<640x128xf32, #tpu.memory_space<hbm>>, %arg5: memref<2x10240x128xf32, #tpu.memory_space<hbm>>, %arg6: memref<125x80xi32, #tpu.memory_space<vmem>>, %arg7: memref<80x128xf32, #tpu.memory_space<vmem>>, %arg8: memref<10240x128xf32, #tpu.memory_space<vmem_shared>>, %arg9: memref<2x!tpu.dma_semaphore, #tpu.memory_space<semaphore_mem>>) attributes {dimension_semantics = [#tpu.dimension_semantics<core_parallel>, #tpu.dimension_semantics<subcore_parallel>], iteration_bounds = array<i64: 2, 16>, scalar_prefetch = 0 : i64, scratch_operands = 4 : i64, tpu.core_type = #tpu.core_type<sc_vector_subcore>, window_params = [{transform_indices = #map}, {transform_indices = #map1}, {transform_indices = #map1}, {transform_indices = #map}]} {
    %mul3A = arith.constant 640 : i32
    %mul3A_0 = arith.muli %arg1, %mul3A : i32
    %mul3A_1 = arith.constant 16 : i32
    %mul3A_2 = arith.muli %arg0, %mul3A_1 : i32
    %add3A = arith.addi %mul3A_2, %arg1 : i32
    "tpu.region"() ({
      %run_scoped3A = tpu.sem_alloc : memref<!tpu.dma_semaphore, #tpu.memory_space<semaphore_mem>>
      tpu.enqueue_dma source(%arg3 : memref<80x128xf32, #tpu.memory_space<hbm>>) target(%arg7 : memref<80x128xf32, #tpu.memory_space<vmem>>) target_semaphore(%run_scoped3A : memref<!tpu.dma_semaphore, #tpu.memory_space<semaphore_mem>>)
      tpu.wait_dma2 semaphore(%run_scoped3A : memref<!tpu.dma_semaphore, #tpu.memory_space<semaphore_mem>>) src(%arg3 : memref<80x128xf32, #tpu.memory_space<hbm>>) dst(%arg7 : memref<80x128xf32, #tpu.memory_space<vmem>>)
      tpu.yield
    }) : () -> ()
    "tpu.region"() ({
      %run_scoped3A = tpu.sem_alloc : memref<!tpu.dma_semaphore, #tpu.memory_space<semaphore_mem>>
      %dma_start3A = arith.constant 0 : i32
      %dma_start3A_28 = arith.constant 0 : i32
      %dma_start3A_29 = tpu.memref_slice %arg2[%add3A, %dma_start3A, %dma_start3A_28] : memref<32x125x80xi32, #tpu.memory_space<hbm>> -> memref<1x125x80xi32, #tpu.memory_space<hbm>>
      %dma_start3A_30 = tpu.memref_squeeze %dma_start3A_29 : memref<1x125x80xi32, #tpu.memory_space<hbm>> -> memref<125x80xi32, #tpu.memory_space<hbm>>
      %dma_start3A_31 = arith.constant 0 : i32
      %dma_start3A_32 = arith.constant 0 : i32
      %dma_start3A_33 = tpu.memref_slice %arg2[%add3A, %dma_start3A_31, %dma_start3A_32] : memref<32x125x80xi32, #tpu.memory_space<hbm>> -> memref<1x125x80xi32, #tpu.memory_space<hbm>>
      %dma_start3A_34 = tpu.memref_squeeze %dma_start3A_33 : memref<1x125x80xi32, #tpu.memory_space<hbm>> -> memref<125x80xi32, #tpu.memory_space<hbm>>
      tpu.enqueue_dma source(%dma_start3A_34 : memref<125x80xi32, #tpu.memory_space<hbm>>) target(%arg6 : memref<125x80xi32, #tpu.memory_space<vmem>>) target_semaphore(%run_scoped3A : memref<!tpu.dma_semaphore, #tpu.memory_space<semaphore_mem>>)
      %dma_wait3A_35 = arith.constant 0 : i32
      %dma_wait3A_36 = arith.constant 0 : i32
      %dma_wait3A_37 = tpu.memref_slice %arg2[%add3A, %dma_wait3A_35, %dma_wait3A_36] : memref<32x125x80xi32, #tpu.memory_space<hbm>> -> memref<1x125x80xi32, #tpu.memory_space<hbm>>
      %dma_wait3A_38 = tpu.memref_squeeze %dma_wait3A_37 : memref<1x125x80xi32, #tpu.memory_space<hbm>> -> memref<125x80xi32, #tpu.memory_space<hbm>>
      %dma_wait3A_39 = arith.constant 0 : i32
      %dma_wait3A_40 = arith.constant 0 : i32
      %dma_wait3A_41 = tpu.memref_slice %arg2[%add3A, %dma_wait3A_39, %dma_wait3A_40] : memref<32x125x80xi32, #tpu.memory_space<hbm>> -> memref<1x125x80xi32, #tpu.memory_space<hbm>>
      %dma_wait3A_42 = tpu.memref_squeeze %dma_wait3A_41 : memref<1x125x80xi32, #tpu.memory_space<hbm>> -> memref<125x80xi32, #tpu.memory_space<hbm>>
      tpu.wait_dma2 semaphore(%run_scoped3A : memref<!tpu.dma_semaphore, #tpu.memory_space<semaphore_mem>>) src(%dma_wait3A_42 : memref<125x80xi32, #tpu.memory_space<hbm>>) dst(%arg6 : memref<125x80xi32, #tpu.memory_space<vmem>>)
      tpu.yield
    }) : () -> ()
    "tpu.region"() ({
      %run_scoped3A = tpu.sem_alloc : memref<!tpu.dma_semaphore, #tpu.memory_space<semaphore_mem>>
      %dma_start3A = arith.constant 0 : i32
      %dma_start3A_28 = tpu.memref_slice %arg8[%mul3A_0, %dma_start3A] : memref<10240x128xf32, #tpu.memory_space<vmem_shared>> -> memref<640x128xf32, #tpu.memory_space<vmem_shared>>
      tpu.enqueue_dma source(%arg4 : memref<640x128xf32, #tpu.memory_space<hbm>>) target(%dma_start3A_28 : memref<640x128xf32, #tpu.memory_space<vmem_shared>>) target_semaphore(%run_scoped3A : memref<!tpu.dma_semaphore, #tpu.memory_space<semaphore_mem>>)
      %dma_wait3A_29 = arith.constant 0 : i32
      %dma_wait3A_30 = tpu.memref_slice %arg8[%mul3A_0, %dma_wait3A_29] : memref<10240x128xf32, #tpu.memory_space<vmem_shared>> -> memref<640x128xf32, #tpu.memory_space<vmem_shared>>
      tpu.wait_dma2 semaphore(%run_scoped3A : memref<!tpu.dma_semaphore, #tpu.memory_space<semaphore_mem>>) src(%arg4 : memref<640x128xf32, #tpu.memory_space<hbm>>) dst(%dma_wait3A_30 : memref<640x128xf32, #tpu.memory_space<vmem_shared>>)
      tpu.yield
    }) : () -> ()
    %barrier3A = arith.constant 0 : index
    tpu.barrier barrier_id(%barrier3A)
    %scan3A = arith.constant 0 : i32
    %scan3A_3 = arith.constant 0 : i32
    %scan3A_4 = arith.constant 125 : i32
    %scan3A_5 = arith.addi %scan3A_3, %scan3A_4 : i32
    %scan3A_6 = arith.constant 1 : i32
    scf.for %scan3A_28 = %scan3A_3 to %scan3A_5 step %scan3A_6  : i32 {
      %rem3A = arith.constant 2 : i32
      %rem3A_29 = arith.remsi %scan3A_28, %rem3A : i32
      %ge3A = arith.constant 2 : i32
      %ge3A_30 = arith.cmpi sge, %scan3A_28, %ge3A : i32
      %convert_element_type3A = arith.extui %ge3A_30 : i1 to i32
      %cond3A = arith.constant 0 : i32
      %cond3A_31 = arith.cmpi ne, %convert_element_type3A, %cond3A : i32
      scf.if %cond3A_31 {
        %sub3A = arith.constant 2 : i32
        %sub3A_39 = arith.subi %scan3A_28, %sub3A : i32
        %dma_wait3A_40 = arith.constant 0 : i32
        %dma_wait3A_41 = tpu.memref_slice %arg6[%sub3A_39, %dma_wait3A_40] : memref<125x80xi32, #tpu.memory_space<vmem>> -> memref<1x80xi32, #tpu.memory_space<vmem>>
        %dma_wait3A_42 = tpu.memref_squeeze %dma_wait3A_41 : memref<1x80xi32, #tpu.memory_space<vmem>> -> memref<80xi32, #tpu.memory_space<vmem>>
        %dma_wait3A_43 = arith.constant 0 : i32
        %dma_wait3A_44 = arith.constant 0 : i32
        %dma_wait3A_45 = tpu.memref_slice %arg8[%dma_wait3A_43, %dma_wait3A_44] : memref<10240x128xf32, #tpu.memory_space<vmem_shared>> -> memref<10240x128xf32, #tpu.memory_space<vmem_shared>>
        %dma_wait3A_46 = tpu.memref_slice %arg9[%rem3A_29] : memref<2x!tpu.dma_semaphore, #tpu.memory_space<semaphore_mem>> -> memref<1x!tpu.dma_semaphore, #tpu.memory_space<semaphore_mem>>
        %dma_wait3A_47 = tpu.memref_squeeze %dma_wait3A_46 : memref<1x!tpu.dma_semaphore, #tpu.memory_space<semaphore_mem>> -> memref<!tpu.dma_semaphore, #tpu.memory_space<semaphore_mem>>
        tpu.wait_indirect_dma semaphore(%dma_wait3A_47 : memref<!tpu.dma_semaphore, #tpu.memory_space<semaphore_mem>>) src(%arg7 : memref<80x128xf32, #tpu.memory_space<vmem>>) dst(%dma_wait3A_45 : memref<10240x128xf32, #tpu.memory_space<vmem_shared>>)
      } else {
      }
      %dma_start3A = arith.constant 0 : i32
      %dma_start3A_32 = tpu.memref_slice %arg6[%scan3A_28, %dma_start3A] : memref<125x80xi32, #tpu.memory_space<vmem>> -> memref<1x80xi32, #tpu.memory_space<vmem>>
      %dma_start3A_33 = tpu.memref_squeeze %dma_start3A_32 : memref<1x80xi32, #tpu.memory_space<vmem>> -> memref<80xi32, #tpu.memory_space<vmem>>
      %dma_start3A_34 = arith.constant 0 : i32
      %dma_start3A_35 = arith.constant 0 : i32
      %dma_start3A_36 = tpu.memref_slice %arg8[%dma_start3A_34, %dma_start3A_35] : memref<10240x128xf32, #tpu.memory_space<vmem_shared>> -> memref<10240x128xf32, #tpu.memory_space<vmem_shared>>
      %dma_start3A_37 = tpu.memref_slice %arg9[%rem3A_29] : memref<2x!tpu.dma_semaphore, #tpu.memory_space<semaphore_mem>> -> memref<1x!tpu.dma_semaphore, #tpu.memory_space<semaphore_mem>>
      %dma_start3A_38 = tpu.memref_squeeze %dma_start3A_37 : memref<1x!tpu.dma_semaphore, #tpu.memory_space<semaphore_mem>> -> memref<!tpu.dma_semaphore, #tpu.memory_space<semaphore_mem>>
      tpu.enqueue_indirect_dma source(%arg7 : memref<80x128xf32, #tpu.memory_space<vmem>>) target(%dma_start3A_36 : memref<10240x128xf32, #tpu.memory_space<vmem_shared>>) offsets(%dma_start3A_33 : memref<80xi32, #tpu.memory_space<vmem>>) semaphore(%dma_start3A_38 : memref<!tpu.dma_semaphore, #tpu.memory_space<semaphore_mem>>) {add = true}
    }
    %scan3A_7 = arith.constant 125 : i32
    %dma_wait3A = arith.constant 123 : i32
    %dma_wait3A_8 = arith.constant 1 : i32
    %dma_wait3A_9 = arith.constant 0 : i32
    %dma_wait3A_10 = tpu.memref_slice %arg6[%dma_wait3A, %dma_wait3A_9] : memref<125x80xi32, #tpu.memory_space<vmem>> -> memref<1x80xi32, #tpu.memory_space<vmem>>
    %dma_wait3A_11 = tpu.memref_squeeze %dma_wait3A_10 : memref<1x80xi32, #tpu.memory_space<vmem>> -> memref<80xi32, #tpu.memory_space<vmem>>
    %dma_wait3A_12 = arith.constant 0 : i32
    %dma_wait3A_13 = arith.constant 0 : i32
    %dma_wait3A_14 = tpu.memref_slice %arg8[%dma_wait3A_12, %dma_wait3A_13] : memref<10240x128xf32, #tpu.memory_space<vmem_shared>> -> memref<10240x128xf32, #tpu.memory_space<vmem_shared>>
    %dma_wait3A_15 = tpu.memref_slice %arg9[%dma_wait3A_8] : memref<2x!tpu.dma_semaphore, #tpu.memory_space<semaphore_mem>> -> memref<1x!tpu.dma_semaphore, #tpu.memory_space<semaphore_mem>>
    %dma_wait3A_16 = tpu.memref_squeeze %dma_wait3A_15 : memref<1x!tpu.dma_semaphore, #tpu.memory_space<semaphore_mem>> -> memref<!tpu.dma_semaphore, #tpu.memory_space<semaphore_mem>>
    tpu.wait_indirect_dma semaphore(%dma_wait3A_16 : memref<!tpu.dma_semaphore, #tpu.memory_space<semaphore_mem>>) src(%arg7 : memref<80x128xf32, #tpu.memory_space<vmem>>) dst(%dma_wait3A_14 : memref<10240x128xf32, #tpu.memory_space<vmem_shared>>)
    %dma_wait3A_17 = arith.constant 124 : i32
    %dma_wait3A_18 = arith.constant 0 : i32
    %dma_wait3A_19 = arith.constant 0 : i32
    %dma_wait3A_20 = tpu.memref_slice %arg6[%dma_wait3A_17, %dma_wait3A_19] : memref<125x80xi32, #tpu.memory_space<vmem>> -> memref<1x80xi32, #tpu.memory_space<vmem>>
    %dma_wait3A_21 = tpu.memref_squeeze %dma_wait3A_20 : memref<1x80xi32, #tpu.memory_space<vmem>> -> memref<80xi32, #tpu.memory_space<vmem>>
    %dma_wait3A_22 = arith.constant 0 : i32
    %dma_wait3A_23 = arith.constant 0 : i32
    %dma_wait3A_24 = tpu.memref_slice %arg8[%dma_wait3A_22, %dma_wait3A_23] : memref<10240x128xf32, #tpu.memory_space<vmem_shared>> -> memref<10240x128xf32, #tpu.memory_space<vmem_shared>>
    %dma_wait3A_25 = tpu.memref_slice %arg9[%dma_wait3A_18] : memref<2x!tpu.dma_semaphore, #tpu.memory_space<semaphore_mem>> -> memref<1x!tpu.dma_semaphore, #tpu.memory_space<semaphore_mem>>
    %dma_wait3A_26 = tpu.memref_squeeze %dma_wait3A_25 : memref<1x!tpu.dma_semaphore, #tpu.memory_space<semaphore_mem>> -> memref<!tpu.dma_semaphore, #tpu.memory_space<semaphore_mem>>
    tpu.wait_indirect_dma semaphore(%dma_wait3A_26 : memref<!tpu.dma_semaphore, #tpu.memory_space<semaphore_mem>>) src(%arg7 : memref<80x128xf32, #tpu.memory_space<vmem>>) dst(%dma_wait3A_24 : memref<10240x128xf32, #tpu.memory_space<vmem_shared>>)
    %barrier3A_27 = arith.constant 0 : index
    tpu.barrier barrier_id(%barrier3A_27)
    "tpu.region"() ({
      %run_scoped3A = tpu.sem_alloc : memref<!tpu.dma_semaphore, #tpu.memory_space<semaphore_mem>>
      %dma_start3A = arith.constant 0 : i32
      %dma_start3A_28 = arith.constant 0 : i32
      %dma_start3A_29 = tpu.memref_slice %arg5[%arg0, %dma_start3A, %dma_start3A_28] : memref<2x10240x128xf32, #tpu.memory_space<hbm>> -> memref<1x10240x128xf32, #tpu.memory_space<hbm>>
      %dma_start3A_30 = tpu.memref_squeeze %dma_start3A_29 : memref<1x10240x128xf32, #tpu.memory_space<hbm>> -> memref<10240x128xf32, #tpu.memory_space<hbm>>
      %dma_start3A_31 = arith.constant 0 : i32
      %dma_start3A_32 = tpu.memref_slice %dma_start3A_30[%mul3A_0, %dma_start3A_31] : memref<10240x128xf32, #tpu.memory_space<hbm>> -> memref<640x128xf32, #tpu.memory_space<hbm>>
      %dma_start3A_33 = arith.constant 0 : i32
      %dma_start3A_34 = tpu.memref_slice %arg8[%mul3A_0, %dma_start3A_33] : memref<10240x128xf32, #tpu.memory_space<vmem_shared>> -> memref<640x128xf32, #tpu.memory_space<vmem_shared>>
      tpu.enqueue_dma source(%dma_start3A_34 : memref<640x128xf32, #tpu.memory_space<vmem_shared>>) target(%dma_start3A_32 : memref<640x128xf32, #tpu.memory_space<hbm>>) target_semaphore(%run_scoped3A : memref<!tpu.dma_semaphore, #tpu.memory_space<semaphore_mem>>)
      %dma_wait3A_35 = arith.constant 0 : i32
      %dma_wait3A_36 = arith.constant 0 : i32
      %dma_wait3A_37 = tpu.memref_slice %arg5[%arg0, %dma_wait3A_35, %dma_wait3A_36] : memref<2x10240x128xf32, #tpu.memory_space<hbm>> -> memref<1x10240x128xf32, #tpu.memory_space<hbm>>
      %dma_wait3A_38 = tpu.memref_squeeze %dma_wait3A_37 : memref<1x10240x128xf32, #tpu.memory_space<hbm>> -> memref<10240x128xf32, #tpu.memory_space<hbm>>
      %dma_wait3A_39 = arith.constant 0 : i32
      %dma_wait3A_40 = tpu.memref_slice %dma_wait3A_38[%mul3A_0, %dma_wait3A_39] : memref<10240x128xf32, #tpu.memory_space<hbm>> -> memref<640x128xf32, #tpu.memory_space<hbm>>
      %dma_wait3A_41 = arith.constant 0 : i32
      %dma_wait3A_42 = tpu.memref_slice %arg8[%mul3A_0, %dma_wait3A_41] : memref<10240x128xf32, #tpu.memory_space<vmem_shared>> -> memref<640x128xf32, #tpu.memory_space<vmem_shared>>
      tpu.wait_dma2 semaphore(%run_scoped3A : memref<!tpu.dma_semaphore, #tpu.memory_space<semaphore_mem>>) src(%dma_wait3A_42 : memref<640x128xf32, #tpu.memory_space<vmem_shared>>) dst(%dma_wait3A_40 : memref<640x128xf32, #tpu.memory_space<hbm>>)
      tpu.yield
    }) : () -> ()
    return
  }
}

module attributes {stable_mosaic.version = 14 : i64} {
  func.func @_tc1_body(%arg0: i32, %arg1: memref<1000x128xf32, #tpu.memory_space<vmem>>, %arg2: memref<128x128xf32, #tpu.memory_space<vmem>>, %arg3: memref<2x1000x128xf32, #tpu.memory_space<vmem>>, %arg4: memref<1000x128xf32, #tpu.memory_space<vmem>>, %arg5: memref<1000x1xf32, #tpu.memory_space<vmem>>) attributes {dimension_semantics = [#tpu.dimension_semantics<arbitrary>], iteration_bounds = array<i64: 10>, scalar_prefetch = 0 : i64, scratch_operands = 0 : i64, tpu.core_type = #tpu.core_type<tc>, window_params = [{transform_indices = @transform_0, window_bounds = array<i64: 1000, 128>}, {pipeline_mode = #tpu.pipeline_mode<synchronous>, transform_indices = @transform_1, window_bounds = array<i64: 128, 128>}, {transform_indices = @transform_2, window_bounds = array<i64: 2, 1000, 128>}, {transform_indices = @transform_3, window_bounds = array<i64: 1000, 128>}, {transform_indices = @transform_4, window_bounds = array<i64: 1000, 1>}]} {
    %get3A = arith.constant 0 : index
    %get3A_0 = arith.constant 0 : index
    %get3A_1 = arith.constant 0 : index
    %get3A_2 = vector.load %arg3[%get3A, %get3A_0, %get3A_1] : memref<2x1000x128xf32, #tpu.memory_space<vmem>>, vector<1x1000x1xf32>
    %get3A_3 = vector.shape_cast %get3A_2 : vector<1x1000x1xf32> to vector<1000x1xf32>
    %get3A_4 = arith.constant 1 : index
    %get3A_5 = arith.constant 0 : index
    %get3A_6 = arith.constant 0 : index
    %get3A_7 = vector.load %arg3[%get3A_4, %get3A_5, %get3A_6] : memref<2x1000x128xf32, #tpu.memory_space<vmem>>, vector<1x1000x1xf32>
    %get3A_8 = vector.shape_cast %get3A_7 : vector<1x1000x1xf32> to vector<1000x1xf32>
    %add3A = arith.addf %get3A_3, %get3A_8 : vector<1000x1xf32>
    %add3A_9 = arith.constant 1.000000e+00 : f32
    %add3A_10 = vector.broadcast %add3A_9 : f32 to vector<1000x1xf32>
    %add3A_11 = arith.addf %add3A, %add3A_10 : vector<1000x1xf32>
    %rsqrt3A = math.rsqrt %add3A_11 : vector<1000x1xf32>
    %get3A_12 = arith.constant 0 : index
    %get3A_13 = arith.constant 0 : index
    %get3A_14 = vector.load %arg1[%get3A_12, %get3A_13] : memref<1000x128xf32, #tpu.memory_space<vmem>>, vector<1000x128xf32>
    %get3A_15 = arith.constant 0 : index
    %get3A_16 = arith.constant 0 : index
    %get3A_17 = vector.load %arg2[%get3A_15, %get3A_16] : memref<128x128xf32, #tpu.memory_space<vmem>>, vector<128x128xf32>
    %dot_general3A = arith.constant dense<0.000000e+00> : vector<1000x128xf32>
    %dot_general3A_18 = tpu.matmul %get3A_14, %get3A_17, %dot_general3A {dimension_numbers = #tpu.dot_dimension_numbers<[1], [0], [0], [1], [0, 0, 1, 1], [], []>, transpose_lhs_hint = false} : vector<1000x128xf32>, vector<128x128xf32>, vector<1000x128xf32> -> vector<1000x128xf32>
    %mul3A = vector.broadcast %rsqrt3A : vector<1000x1xf32> to vector<1000x128xf32>
    %mul3A_19 = arith.mulf %dot_general3A_18, %mul3A : vector<1000x128xf32>
    %swap3A = arith.constant 0 : index
    %swap3A_20 = arith.constant 0 : index
    %swap3A_21 = vector.load %arg4[%swap3A, %swap3A_20] : memref<1000x128xf32, #tpu.memory_space<vmem>>, vector<1000x128xf32>
    tpu.vector_store %arg4[%swap3A, %swap3A_20], %mul3A_19 {strides = array<i32>} : memref<1000x128xf32, #tpu.memory_space<vmem>>, vector<1000x128xf32>,
    %swap3A_22 = arith.constant 0 : index
    %swap3A_23 = arith.constant 0 : index
    %swap3A_24 = vector.load %arg5[%swap3A_22, %swap3A_23] : memref<1000x1xf32, #tpu.memory_space<vmem>>, vector<1000x1xf32>
    tpu.vector_store %arg5[%swap3A_22, %swap3A_23], %rsqrt3A {strides = array<i32>} : memref<1000x1xf32, #tpu.memory_space<vmem>>, vector<1000x1xf32>,
    return
  }
  func.func @transform_0(%arg0: i32) -> (i32, i32) {
    %c0_i32 = arith.constant 0 : i32
    %c0_i32_0 = arith.constant 0 : i32
    return %arg0, %c0_i32 : i32, i32
  }
  func.func @transform_1(%arg0: i32) -> (i32, i32) {
    %c0_i32 = arith.constant 0 : i32
    %c0_i32_0 = arith.constant 0 : i32
    %c0_i32_1 = arith.constant 0 : i32
    return %c0_i32, %c0_i32_0 : i32, i32
  }
  func.func @transform_2(%arg0: i32) -> (i32, i32, i32) {
    %c0_i32 = arith.constant 0 : i32
    %c0_i32_0 = arith.constant 0 : i32
    %c0_i32_1 = arith.constant 0 : i32
    return %c0_i32, %arg0, %c0_i32_0 : i32, i32, i32
  }
  func.func @transform_3(%arg0: i32) -> (i32, i32) {
    %c0_i32 = arith.constant 0 : i32
    %c0_i32_0 = arith.constant 0 : i32
    return %arg0, %c0_i32 : i32, i32
  }
  func.func @transform_4(%arg0: i32) -> (i32, i32) {
    %c0_i32 = arith.constant 0 : i32
    %c0_i32_0 = arith.constant 0 : i32
    return %arg0, %c0_i32 : i32, i32
  }
}

module attributes {stable_mosaic.version = 14 : i64} {
  func.func @_tc2_body(%arg0: i32, %arg1: memref<2x1000x128xf32, #tpu.memory_space<vmem>>, %arg2: memref<1000x128xf32, #tpu.memory_space<vmem>>, %arg3: memref<1000x1xf32, #tpu.memory_space<vmem>>, %arg4: memref<1x128xf32, #tpu.memory_space<vmem>>, %arg5: memref<128x128xf32, #tpu.memory_space<vmem>>, %arg6: memref<1000x128xf32, #tpu.memory_space<vmem>>) attributes {dimension_semantics = [#tpu.dimension_semantics<arbitrary>], iteration_bounds = array<i64: 10>, scalar_prefetch = 0 : i64, scratch_operands = 0 : i64, tpu.core_type = #tpu.core_type<tc>, window_params = [{transform_indices = @transform_0, window_bounds = array<i64: 2, 1000, 128>}, {transform_indices = @transform_1, window_bounds = array<i64: 1000, 128>}, {transform_indices = @transform_2, window_bounds = array<i64: 1000, 1>}, {pipeline_mode = #tpu.pipeline_mode<synchronous>, transform_indices = @transform_3, window_bounds = array<i64: 1, 128>}, {pipeline_mode = #tpu.pipeline_mode<synchronous>, transform_indices = @transform_4, window_bounds = array<i64: 128, 128>}, {transform_indices = @transform_5, window_bounds = array<i64: 1000, 128>}]} {
    %get3A = arith.constant 0 : index
    %get3A_0 = arith.constant 0 : index
    %get3A_1 = vector.load %arg3[%get3A, %get3A_0] : memref<1000x1xf32, #tpu.memory_space<vmem>>, vector<1000x1xf32>
    %get3A_2 = arith.constant 0 : index
    %get3A_3 = arith.constant 0 : index
    %get3A_4 = arith.constant 0 : index
    %get3A_5 = vector.load %arg1[%get3A_2, %get3A_3, %get3A_4] : memref<2x1000x128xf32, #tpu.memory_space<vmem>>, vector<1x1000x128xf32>
    %get3A_6 = vector.shape_cast %get3A_5 : vector<1x1000x128xf32> to vector<1000x128xf32>
    %get3A_7 = arith.constant 1 : index
    %get3A_8 = arith.constant 0 : index
    %get3A_9 = arith.constant 0 : index
    %get3A_10 = vector.load %arg1[%get3A_7, %get3A_8, %get3A_9] : memref<2x1000x128xf32, #tpu.memory_space<vmem>>, vector<1x1000x128xf32>
    %get3A_11 = vector.shape_cast %get3A_10 : vector<1x1000x128xf32> to vector<1000x128xf32>
    %add3A = arith.addf %get3A_6, %get3A_11 : vector<1000x128xf32>
    %get3A_12 = arith.constant 0 : index
    %get3A_13 = arith.constant 0 : index
    %get3A_14 = vector.load %arg2[%get3A_12, %get3A_13] : memref<1000x128xf32, #tpu.memory_space<vmem>>, vector<1000x128xf32>
    %add3A_15 = arith.addf %add3A, %get3A_14 : vector<1000x128xf32>
    %mul3A = vector.broadcast %get3A_1 : vector<1000x1xf32> to vector<1000x128xf32>
    %mul3A_16 = arith.mulf %mul3A, %add3A_15 : vector<1000x128xf32>
    %get3A_17 = arith.constant 0 : index
    %get3A_18 = arith.constant 0 : index
    %get3A_19 = vector.load %arg4[%get3A_17, %get3A_18] : memref<1x128xf32, #tpu.memory_space<vmem>>, vector<1x128xf32>
    %add3A_20 = vector.broadcast %get3A_19 : vector<1x128xf32> to vector<1000x128xf32>
    %add3A_21 = arith.addf %mul3A_16, %add3A_20 : vector<1000x128xf32>
    %max3A = arith.constant 0.000000e+00 : f32
    %max3A_22 = vector.broadcast %max3A : f32 to vector<1000x128xf32>
    %max3A_23 = arith.maximumf %add3A_21, %max3A_22 : vector<1000x128xf32>
    %get3A_24 = arith.constant 0 : index
    %get3A_25 = arith.constant 0 : index
    %get3A_26 = vector.load %arg5[%get3A_24, %get3A_25] : memref<128x128xf32, #tpu.memory_space<vmem>>, vector<128x128xf32>
    %dot_general3A = arith.constant dense<0.000000e+00> : vector<1000x128xf32>
    %dot_general3A_27 = tpu.matmul %max3A_23, %get3A_26, %dot_general3A {dimension_numbers = #tpu.dot_dimension_numbers<[1], [0], [0], [1], [0, 0, 1, 1], [], []>, transpose_lhs_hint = false} : vector<1000x128xf32>, vector<128x128xf32>, vector<1000x128xf32> -> vector<1000x128xf32>
    %mul3A_28 = vector.broadcast %get3A_1 : vector<1000x1xf32> to vector<1000x128xf32>
    %mul3A_29 = arith.mulf %mul3A_28, %dot_general3A_27 : vector<1000x128xf32>
    %swap3A = arith.constant 0 : index
    %swap3A_30 = arith.constant 0 : index
    %swap3A_31 = vector.load %arg6[%swap3A, %swap3A_30] : memref<1000x128xf32, #tpu.memory_space<vmem>>, vector<1000x128xf32>
    tpu.vector_store %arg6[%swap3A, %swap3A_30], %mul3A_29 {strides = array<i32>} : memref<1000x128xf32, #tpu.memory_space<vmem>>, vector<1000x128xf32>,
    return
  }
  func.func @transform_0(%arg0: i32) -> (i32, i32, i32) {
    %c0_i32 = arith.constant 0 : i32
    %c0_i32_0 = arith.constant 0 : i32
    %c0_i32_1 = arith.constant 0 : i32
    return %c0_i32, %arg0, %c0_i32_0 : i32, i32, i32
  }
  func.func @transform_1(%arg0: i32) -> (i32, i32) {
    %c0_i32 = arith.constant 0 : i32
    %c0_i32_0 = arith.constant 0 : i32
    return %arg0, %c0_i32 : i32, i32
  }
  func.func @transform_2(%arg0: i32) -> (i32, i32) {
    %c0_i32 = arith.constant 0 : i32
    %c0_i32_0 = arith.constant 0 : i32
    return %arg0, %c0_i32 : i32, i32
  }
  func.func @transform_3(%arg0: i32) -> (i32, i32) {
    %c0_i32 = arith.constant 0 : i32
    %c0_i32_0 = arith.constant 0 : i32
    %c0_i32_1 = arith.constant 0 : i32
    return %c0_i32, %c0_i32_0 : i32, i32
  }
  func.func @transform_4(%arg0: i32) -> (i32, i32) {
    %c0_i32 = arith.constant 0 : i32
    %c0_i32_0 = arith.constant 0 : i32
    %c0_i32_1 = arith.constant 0 : i32
    return %c0_i32, %c0_i32_0 : i32, i32
  }
  func.func @transform_5(%arg0: i32) -> (i32, i32) {
    %c0_i32 = arith.constant 0 : i32
    %c0_i32_0 = arith.constant 0 : i32
    return %arg0, %c0_i32 : i32, i32
  }
}

module attributes {stable_mosaic.version = 14 : i64} {
  func.func @_tc3_body(%arg0: i32, %arg1: memref<2x1000x128xf32, #tpu.memory_space<vmem>>, %arg2: memref<1000x128xf32, #tpu.memory_space<vmem>>, %arg3: memref<1000x1xf32, #tpu.memory_space<vmem>>, %arg4: memref<1x128xf32, #tpu.memory_space<vmem>>, %arg5: memref<1000x1xi32, #tpu.memory_space<vmem>>, %arg6: memref<128x64xf32, #tpu.memory_space<vmem>>, %arg7: memref<1x64xf32, #tpu.memory_space<vmem>>, %arg8: memref<64x64xf32, #tpu.memory_space<vmem>>, %arg9: memref<64x256xf32, #tpu.memory_space<vmem>>) attributes {dimension_semantics = [#tpu.dimension_semantics<arbitrary>], iteration_bounds = array<i64: 10>, scalar_prefetch = 0 : i64, scratch_operands = 1 : i64, tpu.core_type = #tpu.core_type<tc>, window_params = [{transform_indices = @transform_0, window_bounds = array<i64: 2, 1000, 128>}, {transform_indices = @transform_1, window_bounds = array<i64: 1000, 128>}, {transform_indices = @transform_2, window_bounds = array<i64: 1000, 1>}, {pipeline_mode = #tpu.pipeline_mode<synchronous>, transform_indices = @transform_3, window_bounds = array<i64: 1, 128>}, {transform_indices = @transform_4, window_bounds = array<i64: 1000, 1>}, {pipeline_mode = #tpu.pipeline_mode<synchronous>, transform_indices = @transform_5, window_bounds = array<i64: 128, 64>}, {pipeline_mode = #tpu.pipeline_mode<synchronous>, transform_indices = @transform_6, window_bounds = array<i64: 1, 64>}, {pipeline_mode = #tpu.pipeline_mode<synchronous>, transform_indices = @transform_7, window_bounds = array<i64: 64, 64>}]} {
    %eq3A = arith.constant 0 : i32
    %eq3A_0 = arith.cmpi eq, %arg0, %eq3A : i32
    %convert_element_type3A = arith.extui %eq3A_0 : i1 to i32
    %cond3A = arith.constant 0 : i32
    %cond3A_1 = arith.cmpi ne, %convert_element_type3A, %cond3A : i32
    scf.if %cond3A_1 {
      %broadcast_in_dim3A_47 = arith.constant 0.000000e+00 : f32
      %broadcast_in_dim3A_48 = vector.broadcast %broadcast_in_dim3A_47 : f32 to vector<64x256xf32>
      %swap3A_49 = arith.constant 0 : index
      %swap3A_50 = arith.constant 0 : index
      %swap3A_51 = vector.load %arg9[%swap3A_49, %swap3A_50] : memref<64x256xf32, #tpu.memory_space<vmem>>, vector<64x256xf32>
      tpu.vector_store %arg9[%swap3A_49, %swap3A_50], %broadcast_in_dim3A_48 {strides = array<i32>} : memref<64x256xf32, #tpu.memory_space<vmem>>, vector<64x256xf32>,
    } else {
    }
    %get3A = arith.constant 0 : index
    %get3A_2 = arith.constant 0 : index
    %get3A_3 = vector.load %arg3[%get3A, %get3A_2] : memref<1000x1xf32, #tpu.memory_space<vmem>>, vector<1000x1xf32>
    %get3A_4 = arith.constant 0 : index
    %get3A_5 = arith.constant 0 : index
    %get3A_6 = arith.constant 0 : index
    %get3A_7 = vector.load %arg1[%get3A_4, %get3A_5, %get3A_6] : memref<2x1000x128xf32, #tpu.memory_space<vmem>>, vector<1x1000x128xf32>
    %get3A_8 = vector.shape_cast %get3A_7 : vector<1x1000x128xf32> to vector<1000x128xf32>
    %get3A_9 = arith.constant 1 : index
    %get3A_10 = arith.constant 0 : index
    %get3A_11 = arith.constant 0 : index
    %get3A_12 = vector.load %arg1[%get3A_9, %get3A_10, %get3A_11] : memref<2x1000x128xf32, #tpu.memory_space<vmem>>, vector<1x1000x128xf32>
    %get3A_13 = vector.shape_cast %get3A_12 : vector<1x1000x128xf32> to vector<1000x128xf32>
    %add3A = arith.addf %get3A_8, %get3A_13 : vector<1000x128xf32>
    %get3A_14 = arith.constant 0 : index
    %get3A_15 = arith.constant 0 : index
    %get3A_16 = vector.load %arg2[%get3A_14, %get3A_15] : memref<1000x128xf32, #tpu.memory_space<vmem>>, vector<1000x128xf32>
    %add3A_17 = arith.addf %add3A, %get3A_16 : vector<1000x128xf32>
    %mul3A = vector.broadcast %get3A_3 : vector<1000x1xf32> to vector<1000x128xf32>
    %mul3A_18 = arith.mulf %mul3A, %add3A_17 : vector<1000x128xf32>
    %get3A_19 = arith.constant 0 : index
    %get3A_20 = arith.constant 0 : index
    %get3A_21 = vector.load %arg4[%get3A_19, %get3A_20] : memref<1x128xf32, #tpu.memory_space<vmem>>, vector<1x128xf32>
    %add3A_22 = vector.broadcast %get3A_21 : vector<1x128xf32> to vector<1000x128xf32>
    %add3A_23 = arith.addf %mul3A_18, %add3A_22 : vector<1000x128xf32>
    %max3A = arith.constant 0.000000e+00 : f32
    %max3A_24 = vector.broadcast %max3A : f32 to vector<1000x128xf32>
    %max3A_25 = arith.maximumf %add3A_23, %max3A_24 : vector<1000x128xf32>
    %iota3A = tpu.iota {dimensions = array<i32: 1>} : vector<1x64xi32>
    %get3A_26 = arith.constant 0 : index
    %get3A_27 = arith.constant 0 : index
    %get3A_28 = vector.load %arg5[%get3A_26, %get3A_27] : memref<1000x1xi32, #tpu.memory_space<vmem>>, vector<1000x1xi32>
    %eq3A_29 = vector.broadcast %get3A_28 : vector<1000x1xi32> to vector<1000x64xi32>
    %eq3A_30 = vector.broadcast %iota3A : vector<1x64xi32> to vector<1000x64xi32>
    %eq3A_31 = arith.cmpi eq, %eq3A_29, %eq3A_30 : vector<1000x64xi32>
    %convert_element_type3A_32 = arith.extui %eq3A_31 : vector<1000x64xi1> to vector<1000x64xi32>
    %convert_element_type3A_33 = arith.sitofp %convert_element_type3A_32 : vector<1000x64xi32> to vector<1000x64xf32>
    %broadcast_in_dim3A = arith.constant 1.000000e+00 : f32
    %broadcast_in_dim3A_34 = vector.broadcast %broadcast_in_dim3A : f32 to vector<1000x128xf32>
    %concatenate3A = tpu.concatenate %max3A_25, %broadcast_in_dim3A_34 in 1 : vector<1000x128xf32>, vector<1000x128xf32> -> vector<1000x256xf32>
    %get3A_35 = arith.constant 0 : index
    %get3A_36 = arith.constant 0 : index
    %get3A_37 = vector.load %arg9[%get3A_35, %get3A_36] : memref<64x256xf32, #tpu.memory_space<vmem>>, vector<64x256xf32>
    %dot_general3A = arith.constant dense<0.000000e+00> : vector<64x256xf32>
    %dot_general3A_38 = tpu.matmul %convert_element_type3A_33, %concatenate3A, %dot_general3A {dimension_numbers = #tpu.dot_dimension_numbers<[0], [0], [1], [1], [0, 1, 1, 1], [], []>, transpose_lhs_hint = false} : vector<1000x64xf32>, vector<1000x256xf32>, vector<64x256xf32> -> vector<64x256xf32>
    %add3A_39 = arith.addf %get3A_37, %dot_general3A_38 : vector<64x256xf32>
    %swap3A = arith.constant 0 : index
    %swap3A_40 = arith.constant 0 : index
    %swap3A_41 = vector.load %arg9[%swap3A, %swap3A_40] : memref<64x256xf32, #tpu.memory_space<vmem>>, vector<64x256xf32>
    tpu.vector_store %arg9[%swap3A, %swap3A_40], %add3A_39 {strides = array<i32>} : memref<64x256xf32, #tpu.memory_space<vmem>>, vector<64x256xf32>,
    %eq3A_42 = arith.constant 9 : i32
    %eq3A_43 = arith.cmpi eq, %arg0, %eq3A_42 : i32
    %convert_element_type3A_44 = arith.extui %eq3A_43 : i1 to i32
    %cond3A_45 = arith.constant 0 : i32
    %cond3A_46 = arith.cmpi ne, %convert_element_type3A_44, %cond3A_45 : i32
    scf.if %cond3A_46 {
      %get3A_47 = arith.constant 0 : index
      %get3A_48 = arith.constant 128 : index
      %get3A_49 = vector.load %arg9[%get3A_47, %get3A_48] : memref<64x256xf32, #tpu.memory_space<vmem>>, vector<64x1xf32>
      %max3A_50 = arith.constant 1.000000e+00 : f32
      %max3A_51 = vector.broadcast %max3A_50 : f32 to vector<64x1xf32>
      %max3A_52 = arith.maximumf %get3A_49, %max3A_51 : vector<64x1xf32>
      %get3A_53 = arith.constant 0 : index
      %get3A_54 = arith.constant 0 : index
      %get3A_55 = vector.load %arg9[%get3A_53, %get3A_54] : memref<64x256xf32, #tpu.memory_space<vmem>>, vector<64x128xf32>
      %div3A = vector.broadcast %max3A_52 : vector<64x1xf32> to vector<64x128xf32>
      %div3A_56 = arith.divf %get3A_55, %div3A : vector<64x128xf32>
      %get3A_57 = arith.constant 0 : index
      %get3A_58 = arith.constant 0 : index
      %get3A_59 = vector.load %arg6[%get3A_57, %get3A_58] : memref<128x64xf32, #tpu.memory_space<vmem>>, vector<128x64xf32>
      %dot_general3A_60 = arith.constant dense<0.000000e+00> : vector<64x64xf32>
      %dot_general3A_61 = tpu.matmul %div3A_56, %get3A_59, %dot_general3A_60 {dimension_numbers = #tpu.dot_dimension_numbers<[1], [0], [0], [1], [0, 0, 1, 1], [], []>, transpose_lhs_hint = false} : vector<64x128xf32>, vector<128x64xf32>, vector<64x64xf32> -> vector<64x64xf32>
      %get3A_62 = arith.constant 0 : index
      %get3A_63 = arith.constant 0 : index
      %get3A_64 = vector.load %arg7[%get3A_62, %get3A_63] : memref<1x64xf32, #tpu.memory_space<vmem>>, vector<1x64xf32>
      %add3A_65 = vector.broadcast %get3A_64 : vector<1x64xf32> to vector<64x64xf32>
      %add3A_66 = arith.addf %dot_general3A_61, %add3A_65 : vector<64x64xf32>
      %swap3A_67 = arith.constant 0 : index
      %swap3A_68 = arith.constant 0 : index
      %swap3A_69 = vector.load %arg8[%swap3A_67, %swap3A_68] : memref<64x64xf32, #tpu.memory_space<vmem>>, vector<64x64xf32>
      tpu.vector_store %arg8[%swap3A_67, %swap3A_68], %add3A_66 {strides = array<i32>} : memref<64x64xf32, #tpu.memory_space<vmem>>, vector<64x64xf32>,
    } else {
    }
    return
  }
  func.func @transform_0(%arg0: i32) -> (i32, i32, i32) {
    %c0_i32 = arith.constant 0 : i32
    %c0_i32_0 = arith.constant 0 : i32
    %c0_i32_1 = arith.constant 0 : i32
    return %c0_i32, %arg0, %c0_i32_0 : i32, i32, i32
  }
  func.func @transform_1(%arg0: i32) -> (i32, i32) {
    %c0_i32 = arith.constant 0 : i32
    %c0_i32_0 = arith.constant 0 : i32
    return %arg0, %c0_i32 : i32, i32
  }
  func.func @transform_2(%arg0: i32) -> (i32, i32) {
    %c0_i32 = arith.constant 0 : i32
    %c0_i32_0 = arith.constant 0 : i32
    return %arg0, %c0_i32 : i32, i32
  }
  func.func @transform_3(%arg0: i32) -> (i32, i32) {
    %c0_i32 = arith.constant 0 : i32
    %c0_i32_0 = arith.constant 0 : i32
    %c0_i32_1 = arith.constant 0 : i32
    return %c0_i32, %c0_i32_0 : i32, i32
  }
  func.func @transform_4(%arg0: i32) -> (i32, i32) {
    %c0_i32 = arith.constant 0 : i32
    %c0_i32_0 = arith.constant 0 : i32
    return %arg0, %c0_i32 : i32, i32
  }
  func.func @transform_5(%arg0: i32) -> (i32, i32) {
    %c0_i32 = arith.constant 0 : i32
    %c0_i32_0 = arith.constant 0 : i32
    %c0_i32_1 = arith.constant 0 : i32
    return %c0_i32, %c0_i32_0 : i32, i32
  }
  func.func @transform_6(%arg0: i32) -> (i32, i32) {
    %c0_i32 = arith.constant 0 : i32
    %c0_i32_0 = arith.constant 0 : i32
    %c0_i32_1 = arith.constant 0 : i32
    return %c0_i32, %c0_i32_0 : i32, i32
  }
  func.func @transform_7(%arg0: i32) -> (i32, i32) {
    %c0_i32 = arith.constant 0 : i32
    %c0_i32_0 = arith.constant 0 : i32
    %c0_i32_1 = arith.constant 0 : i32
    return %c0_i32, %c0_i32_0 : i32, i32
  }
}

</mosaic_0001>

<sc_bundles>
// kernel: kernel.11.cloned.1.call-start
scs
__scs_entry_jumppad:
0x0: {  	(pc) =	sbr.rel $0x88, $3  }
0x1: {  	(tag) =	ssettag $0x0;
	lr =	simm.s32 $0x1  }
0x2: {  	[smem:$0x3F98] =	sst lr;
	_ =	strace $0xD0000000  }
0x3: {  	_ = 	snop  }
0x4: {  	_ = 	snop  }
0x5: {  	_ = 	snop  }
0x6: {  	_ = 	snop  }
0x7: {  	_ = 	snop  }
__scs_overlays_trampoline_lowered:
0x8: {  	[smem:$0x3FA7] =	sst s0  }
0x9: {  	[smem:$0x3FA8] =	sst s1  }
0xa: {  	[smem:$0x3FA9] =	sst s2  }
0xb: {  	[smem:$0x3FAA] =	sst s3  }
0xc: {  	[smem:$0x3FAB] =	sst s4  }
0xd: {  	[smem:$0x3FAC] =	sst s5  }
0xe: {  	[smem:$0x3FAD] =	sst s6  }
0xf: {  	[smem:$0x3FAE] =	sst s7  }
0x10: {  	[smem:$0x3FAF] =	sst s8  }
0x11: {  	[smem:$0x3FB0] =	sst s9;
	s0 =	simm.s32 @!p0 $0x0  }
0x12: {  	s1 =	sld [smem:$0x3F96];
	s0 =	simm.s32 @p0 $0x1  }
0x13: {  	[smem:$0x3FB1] =	sst s0;
	s0 =	simm.s32 @!p1 $0x0  }
0x14: {  	s2 =	sld [smem:$0x3F95];
	s0 =	simm.s32 @p1 $0x1  }
0x15: {  	[smem:$0x3FB2] =	sst s0;
	s0 =	simm.s32 @!p2 $0x0  }
0x16: {  	s3 =	sld [smem:$0x3FDB];
	s0 =	simm.s32 @p2 $0x1  }
0x17: {  	s4 =	simm.s32 $0x1BF5;
	[smem:$0x3FB4] =	sst s0  }
0x18: {  	s0 =	sld [smem:$0x3F97];
	_ =	swait.ge [sflag:s4], $0x0  }
0x19: {  	s7 =	sld [smem:$0x3F98]  }
0x1a: {  	s8 =	sadd.s32 $0xFFFFE003, lr  }
0x1b: {  	s9 =	sadd.s32 $0xFFFFFEF7, lr;
	s5 =	simm.s32 $0xFFFFFFFF;
	p2 =	slt.u32 s8, $0xFFFFF086  }
0x1c: {  	p1 =	slt.u32 s9, $0xF7A;
	s5 =	simm.s32 @!p2 $0x0  }
0x1d: {  	s5 =	simm.s32 @p1 $0x1;
	p0 =	seq.s32 s7, s2  }
0x1e: {  	s7 =	smul.u32 @!p0 $0xF7A, s2;
	p2 =	seq.s32 @!p0 s5, $0x0  }
0x1f: {  	s9 =	smul.u32 $0xF7A, s1;
	s8 =	simm.s32 @!p0 $0x1BF5;
	p2 =	por !p2, p0  }
0x20: {  	[sflag:s8] =	ssyncset.s32 @!p0 $0xFFFFF086;
	s6 =	sadd.s32 @!p0 s3, s7;
	s7 =	simm.s32 @!p0 $0x108  }
0x21: {  	s3 =	sadd.s32 s3, s9;
	s6 =	sadd.s32 @!p0 $0x88, s6;
	s7 =	simm.s32 @p2 $0x1082  }
0x22: {  	[simem:s7], [sflag:s8] =	dma.local @!p0 [hbm:s6], $0xF7A  }
0x23: {  	s9 =	sor.u32 $0xD0000000, s2;
	s6 =	simm.s32 $0x108;
	_ =	swait.ge @!p0 [sflag:s8], $0x0  }
0x24: {  	s3 =	sadd.s32 $0x88, s3;
	s6 =	simm.s32 @!p1 $0x1082;
	[sflag:s4] =	ssyncset.s32 $0xFFFFF086  }
0x25: {  	[simem:s6], [sflag:s4] =	dma.local [hbm:s3], $0xF7A  }
0x26: {  	[smem:$0x3F98] =	sst s1;
	(tag) =	ssettag s2;
	_ =	strace s9  }
0x27: {  	s1 =	sld [smem:$0x3FA8]  }
0x28: {  	s2 =	sld [smem:$0x3FA9]  }
0x29: {  	s4 =	sld [smem:$0x3FAB]  }
0x2a: {  	p0 =	seq.s32 s5, $0x0;
	s5 =	sld [smem:$0x3FAC]  }
0x2b: {  	s6 =	sld [smem:$0x3FAD]  }
0x2c: {  	s7 =	sld [smem:$0x3FAE]  }
0x2d: {  	s3 =	simm.s32 $0x108;
	s8 =	sld [smem:$0x3FAF]  }
0x2e: {  	s3 =	simm.s32 @!p0 $0x1082;
	s9 =	sld [smem:$0x3FB0]  }
0x2f: {  	lr =	sadd.s32 s0, s3;
	s0 =	sld [smem:$0x3FA7]  }
0x30: {  	s3 =	sld [smem:$0x3FAA]  }
0x31: {  	[smem:$0x3FB3] =	sst s10  }
0x32: {  	s10 =	sld [smem:$0x3FB1];
	_ =	sdelay $0x3  }
0x33: {  	p0 =	seq.s32 s10, $0x1;
	s10 =	sld [smem:$0x3FB3];
	_ =	sdelay $0x3  }
0x34: {  	[smem:$0x3FB3] =	sst s10  }
0x35: {  	s10 =	sld [smem:$0x3FB2];
	_ =	sdelay $0x3  }
0x36: {  	p1 =	seq.s32 s10, $0x1;
	s10 =	sld [smem:$0x3FB3];
	_ =	sdelay $0x3  }
0x37: {  	[smem:$0x3FB3] =	sst s10  }
0x38: {  	s10 =	sld [smem:$0x3FB4]  }
0x39: {  	_ = 	snop;
	(pc) =	sbr.ind lr, $3  }
0x3a: {  	_ = 	snop  }
0x3b: {  	_ = 	snop  }
0x3c: {  	p2 =	seq.s32 s10, $0x1;
	s10 =	sld [smem:$0x3FB3]  }
0x3d: {  	_ =	shalt  }
0x3e: {  	_ =	shalt  }
0x3f: {  	_ =	shalt  }
0x40: {  	_ =	shalt  }
0x41: {  	_ =	shalt  }
0x42: {  	_ =	shalt  }
0x43: {  	_ =	shalt  }
0x44: {  	_ =	shalt  }
0x45: {  	_ =	shalt  }
0x46: {  	_ =	shalt  }
0x47: {  	_ =	shalt  }
0x48: {  	_ =	shalt  }
0x49: {  	_ =	shalt  }
0x4a: {  	_ =	shalt  }
0x4b: {  	_ =	shalt  }
0x4c: {  	_ =	shalt  }
0x4d: {  	_ =	shalt  }
0x4e: {  	_ =	shalt  }
0x4f: {  	_ =	shalt  }
0x50: {  	_ =	shalt  }
0x51: {  	_ =	shalt  }
0x52: {  	_ =	shalt  }
0x53: {  	_ =	shalt  }
0x54: {  	_ =	shalt  }
0x55: {  	_ =	shalt  }
0x56: {  	_ =	shalt  }
0x57: {  	_ =	shalt  }
0x58: {  	_ =	shalt  }
0x59: {  	_ =	shalt  }
0x5a: {  	_ =	shalt  }
0x5b: {  	_ =	shalt  }
0x5c: {  	_ =	shalt  }
0x5d: {  	_ =	shalt  }
0x5e: {  	_ =	shalt  }
0x5f: {  	_ =	shalt  }
0x60: {  	_ =	shalt  }
0x61: {  	_ =	shalt  }
0x62: {  	_ =	shalt  }
0x63: {  	_ =	shalt  }
0x64: {  	_ =	shalt  }
0x65: {  	_ =	shalt  }
0x66: {  	_ =	shalt  }
0x67: {  	_ =	shalt  }
0x68: {  	_ =	shalt  }
0x69: {  	_ =	shalt  }
0x6a: {  	_ =	shalt  }
0x6b: {  	_ =	shalt  }
0x6c: {  	_ =	shalt  }
0x6d: {  	_ =	shalt  }
0x6e: {  	_ =	shalt  }
0x6f: {  	_ =	shalt  }
0x70: {  	_ =	shalt  }
0x71: {  	_ =	shalt  }
0x72: {  	_ =	shalt  }
0x73: {  	_ =	shalt  }
0x74: {  	_ =	shalt  }
0x75: {  	_ =	shalt  }
0x76: {  	_ =	shalt  }
0x77: {  	_ =	shalt  }
0x78: {  	_ =	shalt  }
0x79: {  	_ =	shalt  }
0x7a: {  	_ =	shalt  }
0x7b: {  	_ =	shalt  }
0x7c: {  	_ =	shalt  }
0x7d: {  	_ =	shalt  }
0x7e: {  	_ =	shalt  }
0x7f: {  	_ =	shalt  }
0x80: {  	_ =	shalt  }
0x81: {  	_ =	shalt  }
0x82: {  	_ =	shalt  }
0x83: {  	_ =	shalt  }
0x84: {  	_ =	shalt  }
0x85: {  	_ =	shalt  }
0x86: {  	_ =	shalt  }
0x87: {  	_ =	shalt  }
.Lfunc_end0:
.L_simem_size_0:
called_computation.1_lowered:
.L_overlay_start_0:
0x88: {  	s2 =	sld [smem:$0x3FD9]  }
0x89: {  	s3 =	sld [smem:$0x3FFE];
	_ =	sdelay $0x1  }
0x8a: {  	s1 =	srdreg.scid  }
0x8b: {  	s0 =	sand.u32 $0x1, s1  }
0x8c: {  	s16 =	sshll.u32 s0, $0xA;
	s2 =	sadd.s32 s3, s2  }
0x8d: {  	s2 =	sadd.s32 s2, s16  }
0x8e: {  	[smem:$0x3FBF] =	sst s2  }
0x8f: {  	_ = 	snop  }
0x90: {  	(tm) =	ssettm $0x1  }
0x91: {  	s17 =	sld [smem:$0x3FFB];
	_ =	sdelay $0x3  }
0x92: {  	_ =	strace s17  }
0x93: {  	s2 =	sld [smem:$0x3FFC];
	_ =	sdelay $0x3  }
0x94: {  	_ =	strace s2  }
0x95: {  	s2 =	sld [smem:$0x3FFD];
	_ =	sdelay $0x3  }
0x96: {  	_ =	strace s2  }
0x97: {  	_ =	strace $0x8FFFFFFF  }
0x98: {  	s18 =	sld [smem:$0x3FDB];
	_ =	sdelay $0x1  }
0x99: {  	s19 =	simm.s32 $_scs_section_size  }
0x9a: {  	s4 =	simm.s32 $_size__tile_overlayer_lowered;
	s5 =	simm.s32 $_tile_overlayer_lowered  }
0x9b: {  	s22 =	simm.s32 $0x1BFF;
	s21 =	sshll.u32 s5, $0x1;
	s2 =	sadd.s32 s19, s18  }
0x9c: {  	s6 =	simm.s32 $0x0;
	s20 =	sshll.u32 s4, $0x1;
	s4 =	sadd.s32 s21, s2  }
0x9d: {  	[timem:s6], [sflag:s22] =	dma.local [hbm:s4], s20  }
0x9e: {  	_ =	swait.ge [sflag:s22], s20  }
0x9f: {  	s3 =	ssub.s32 $0x0, s20;
	[sflag:s22] =	ssyncset.done $0x0  }
0xa0: {  	[sflag:s22] =	ssyncadd.s32 s3;
	_ =	sdelay $0x1  }
0xa1: {  	s23 =	simm.s32 $0x1B8B  }
0xa2: {  	_ =	swait.ge [sflag:s23], $0x1  }
0xa3: {  	[sflag:s23] =	ssyncset.done $0x0  }
0xa4: {  	s25 =	simm.s32 $0x1B8E;
	s24 =	sld [smem:$0x3FFE];
	[sflag:s23] =	ssyncadd.s32 $0xFFFFFFFF  }
0xa5: {  	s26 =	simm.s32 $execute0_lowered;
	[smem:$0x3FD2] =	sst s25  }
0xa6: {  	s4 =	sshll.u32 s26, $0x1;
	_ =	strace $0x80000049;
	[dreg:$0x1] =	wrdreg $0xFFFFFFFF  }
0xa7: {  	s28 =	simm.s32 $_size_execute0_lowered;
	s2 =	sadd.s32 s2, s4;
	[dreg:$0x0] =	wrdreg $0x0  }
0xa8: {  	s4 =	sshll.u32 s28, $0x1;
	[dreg:$0x2] =	wrdreg s2  }
0xa9: {  	[dreg:$0x3] =	wrdreg s4  }
0xaa: {  	[dreg:$0x4] =	wrdreg $0xC0  }
0xab: {  	_ =	task [dreg:s6], $0x5FFFF  }
0xac: {  	[dreg:$0x1] =	wrdreg $0xFFFFFFFF  }
0xad: {  	[dreg:$0x0] =	wrdreg $0x60  }
0xae: {  	[dreg:$0x2] =	wrdreg s24  }
0xaf: {  	[dreg:$0x3] =	wrdreg $0x54000  }
0xb0: {  	[dreg:$0x4] =	wrdreg $0x9  }
0xb1: {  	_ =	task.clear_ibuf [dreg:s6], $0x5FFFF;
	_ =	strace $0x90000049  }
0xb2: {  	s29 =	simm.s32 $0x9;
	_ =	strace $0x8000004B  }
0xb3: {  	_ =	swait.ge [sflag:s29], $0x1  }
0xb4: {  	[sflag:s29] =	ssyncadd.s32 $0xFFFFFFFF  }
0xb5: {  	_ =	strace $0x9000004B  }
0xb6: {  	_ =	sfence  }
0xb7: {  	s30 =	sld [smem:$0x0];
	_ =	sdelay $0x2  }
0xb8: {  	s31 =	sshll.u32 s1, $0xD;
	s1 =	sshrl.u32 s1, $0x2  }
0xb9: {  	s3 =	sand.u32 $0x4000, s31;
	s1 =	sadd.s32 s1, s30  }
0xba: {  	s0 =	sor.u32 s3, s0;
	s1 =	sshll.u32 s1, $0x11  }
0xbb: {  	s0 =	sor.u32 s1, s0  }
0xbc: {  	s0 =	sadd.s32 $0x8F2B, s0  }
0xbd: {  	[sflag:s0] =	ssyncadd.remote.s32 $0x1  }
0xbe: {  	_ =	sfence.sel $0xFFFF  }
0xbf: {  	[dreg:$0x0] =	wrdreg $0xFFFFFFFF;
	(pc) =	sbr.abs _section_cstart, $3  }
0xc0: {  	[dreg:$0x1] =	wrdreg $0xFFFFFFFF  }
0xc1: {  	_ =	task.clear_ibuf [dreg:s6], $0x2FFFF;
	_ =	strace $0x9FFFFFFF  }
0xc2: {  	(tm) =	ssettm $0x7FFFFFFF  }
0xc3: {  	_ =	shalt  }
tec
execute0_lowered:
.L_overlay_start_1:
0x0: {  	(tag) =	ssettag $0x1  }
0x1: {  	s9 =	rddreg [dreg:$0x0]  }
0x2: {  	s1 =	rddreg [dreg:$0x1];
	s2 =	simm.s32 $0x0;
	s3 =	srdreg.scid  }
0x3: {  	s0 =	stileid.u32;
	s17 =	simm.s32 $0x200;
	s18 =	simm.s32 $0x80  }
0x4: {  	s19 =	simm.s32 $0x280;
	s20 =	simm.s32 $0x1;
	s21 =	simm.s32 $0x50  }
0x5: {  	s22 =	simm.s32 $0x400;
	s23 =	simm.s32 $0x6;
	[smem:$0x7FF] =	sst s2  }
0x6: {  	s6 =	sand.u32 $0x1, s3;
	s4 =	sadd.s32 $0x29000, s9;
	s13 =	smul.u32 $0x50000, s0  }
0x7: {  	s8 =	sadd.s32 $0x26800, s9;
	s29 =	sshll.u32 s0, $0x6;
	s25 =	smul.u32 $0x2800, s0  }
0x8: {  	_ =	strace $0x8000004A;
	s5 =	sshll.u32 s6, $0x4;
	s10 =	smul.u32 $0x28000, s6  }
0x9: {  	s11 =	ssub.s32 $0x2, s6;
	s7 =	sor.u32 s0, s5;
	s5 =	sadd.s32 $0x2600, s9  }
0xa: {  	s12 =	sshrl.u32 s11, $0x1;
	s28 =	sshrl.u32 s13, $0x2;
	s6 =	smul.u32 $0x2710, s7  }
0xb: {  	s7 =	sadd.s32 $0xC400, s9;
	s14 =	sadd.s32 s10, s9;
	s15 =	ssub.s32 s11, s12  }
.Ltmp0:
0xc: {  	s16 =	sadd.s32 s28, s1;
	s9 =	sor.u32 $0x1C08, s29;
	(pc) =	sbr.rel .LBB2_1-.Ltmp0, $4  }
0xd: {  	s24 =	sadd.s32 $0x50200, s14;
	s14 =	smax.u32 s15, $0x1;
	s15 =	sshrl.u32 s16, $0x3  }
0xe: {  	s16 =	simm.s32 $0x8;
	s30 =	sshrl.u32 s6, $0x3;
	s24 =	sadd.s32 s25, s24  }
0xf: {  	s25 =	simm.s32 $0x0;
	s31 =	sadd.s32 $0xA, s30;
	s10 =	sadd.s32 s5, s30  }
0x10: {  	s11 =	sadd.s32 s7, s30;
	s12 =	sadd.s32 s5, s31;
	s13 =	sadd.s32 s7, s31  }
.LBB2_7:
0x11: {  	_ =	swait.ge [sflag:s23], $0x2800  }
0x12: {  	s25 =	sadd.s32 $0x1, s25;
	[sflag:s23] =	ssyncset.done $0x0  }
0x13: {  	p0 =	sne.s32 s25, s14;
	[sflag:s23] =	ssyncadd.s32 $0xFFFFD800  }
.Ltmp1:
0x14: {  	[bflag:$0x0] =	sbarrier.arrive $0xFFFF;
	(pc) =	sbr.rel @!p0 .LBB2_8-.Ltmp1, $4  }
0x15: {  	[hbm:s24], [sflag:s9] =	dma.local [spmem:s15], $0x2800  }
0x16: {  	_ =	swait.ge [sflag:s16], $0x2800  }
0x17: {  	[sflag:s16] =	ssyncset.done $0x0  }
0x18: {  	[sflag:s16] =	ssyncadd.s32 $0xFFFFD800  }
.LBB2_1:
0x19: {  	[spmem:s15], [sflag:s9] =	dma.local [hbm:s8], $0x2800  }
0x1a: {  	_ =	swait.ge [sflag:s16], $0x2800  }
0x1b: {  	[sflag:s16] =	ssyncset.done $0x0  }
0x1c: {  	[sflag:s16] =	ssyncadd.s32 $0xFFFFD800  }
0x1d: {  	[tilespmem:s2], [sflag:$0x1] =	stream.linear.gather [hbm4b:s10+s2], $0x50, $0x38;
	[tilespmem:$0x19400] =	vst v63  }
0x1e: {  	_ = 	snop  }
0x1f: {  	[tilespmem:s17], [sflag:$0x1] =	stream.linear.gather [hbm4b:s11+s2], $0x50, $0x38;
	[tilespmem:$0x19400] =	vst v63  }
0x20: {  	_ = 	snop  }
0x21: {  	[tilespmem:s18], [sflag:$0x2] =	stream.linear.gather [hbm4b:s12+s2], $0x50, $0x38;
	[tilespmem:$0x19400] =	vst v63  }
0x22: {  	_ = 	snop  }
0x23: {  	[tilespmem:s19], [sflag:$0x2] =	stream.linear.gather [hbm4b:s13+s2], $0x50, $0x38;
	[tilespmem:$0x19400] =	vst v63  }
0x24: {  	[bflag:$0x0] =	sbarrier.arrive $0xFFFF  }
0x25: {  	_ =	swait.ge [sflag:s20], $0x50  }
0x26: {  	[sflag:s20] =	ssyncset.done $0x0  }
.Ltmp2:
0x27: {  	[sflag:s20] =	ssyncadd.s32 $0xFFFFFFB0;
	(pc) =	sbr.rel .LBB2_2-.Ltmp2, $4  }
0x28: {  	_ =	swait.ge [sflag:s20], $0x50  }
0x29: {  	[sflag:s20] =	ssyncset.done $0x0  }
0x2a: {  	s28 =	simm.s32 $0x0;
	[sflag:s20] =	ssyncadd.s32 $0xFFFFFFB0  }
0x2b: {  	[tilespmem:s22], [sflag:$0x4] =	stream.indirect.gather [hbm4b:s4+s21], $0x80, s2, s21, $0xb8;
	[tilespmem:$0x19400] =	vst v63  }
.LBB2_3:
0x2c: {  	s30 =	sadd.s32 $0x2, s28  }
0x2d: {  	s31 =	smul.u32 $0xAB, s30;
	_ =	sdelay $0x1  }
0x2e: {  	s31 =	sshrl.u32 s31, $0x9  }
0x2f: {  	s0 =	smul.u32 $0x50, s30;
	s31 =	sand.u32 $0x7F, s31  }
0x30: {  	s31 =	smul.u32 $0x3, s31;
	_ =	sdelay $0x1  }
0x31: {  	s0 =	sadd.s32 s6, s0;
	s30 =	ssub.s32 s30, s31  }
0x32: {  	s0 =	sshrl.u32 s0, $0x3;
	s30 =	sand.u32 $0xFF, s30  }
0x33: {  	s3 =	sadd.s32 s5, s0;
	s31 =	sadd.s32 $0x1, s30;
	s30 =	sshll.u32 s30, $0x7  }
0x34: {  	[tilespmem:s30], [sflag:s31] =	stream.linear.gather [hbm4b:s3+s2], $0x50, $0x38;
	[tilespmem:$0x19400] =	vst v63  }
0x35: {  	s29 =	simm.s32 @p0 $0x1;
	s0 =	sadd.s32 s7, s0;
	s30 =	sor.u32 $0x200, s30  }
0x36: {  	[tilespmem:s30], [sflag:s31] =	stream.linear.gather [hbm4b:s0+s2], $0x50, $0x38;
	[tilespmem:$0x19400] =	vst v63  }
.LBB2_5:
0x37: {  	s30 =	sadd.s32 $0x1, s28  }
0x38: {  	s0 =	smul.u32 $0xAB, s30;
	_ =	sdelay $0x1  }
0x39: {  	s0 =	sshrl.u32 s0, $0x9  }
0x3a: {  	s0 =	sand.u32 $0x7F, s0  }
0x3b: {  	s0 =	smul.u32 $0x3, s0;
	_ =	sdelay $0x1  }
0x3c: {  	s0 =	ssub.s32 s30, s0  }
0x3d: {  	s0 =	sand.u32 $0xFF, s0  }
0x3e: {  	s3 =	sadd.s32 $0x1, s0  }
0x3f: {  	_ =	swait.ge [sflag:s3], $0x50  }
0x40: {  	[sflag:s3] =	ssyncset.done $0x0  }
0x41: {  	s31 =	smul.u32 $0xA000, s29;
	[sflag:s3] =	ssyncadd.s32 $0xFFFFFFB0  }
0x42: {  	_ =	swait.ge [sflag:s3], $0x50  }
0x43: {  	s31 =	sshrl.u32 s31, $0x2;
	s0 =	sshll.u32 s0, $0x7;
	[sflag:s3] =	ssyncset.done $0x0  }
0x44: {  	[sflag:s3] =	ssyncadd.s32 $0xFFFFFFB0;
	s3 =	sor.u32 $0x400, s31;
	s31 =	sor.u32 $0x4, s29  }
0x45: {  	[tilespmem:s3], [sflag:s31] =	stream.indirect.gather [hbm4b:s4+s21], $0x80, s0, s21, $0xb8;
	[tilespmem:$0x19400] =	vst v63  }
.LBB2_6:
0x46: {  	s0 =	smul.u32 $0xAB, s28;
	_ =	sdelay $0x1  }
0x47: {  	s0 =	sshrl.u32 s0, $0x9  }
0x48: {  	s0 =	sand.u32 $0x7F, s0  }
0x49: {  	s0 =	smul.u32 $0x3, s0  }
0x4a: {  	s3 =	smul.u32 $0xA000, s26;
	s31 =	sor.u32 $0x6, s26;
	p0 =	slt.u32 s30, $0x7D  }
.Ltmp3:
0x4b: {  	s0 =	ssub.s32 s28, s0;
	s28 =	sor.u32 $0x4, s26;
	(pc) =	sbr.rel @!p0 .LBB2_7-.Ltmp3, $4  }
0x4c: {  	s3 =	sshrl.u32 s3, $0x2;
	_ =	swait.ge [sflag:s28], $0x2800;
	s0 =	sand.u32 $0xFB, s0  }
0x4d: {  	s3 =	sor.u32 $0x400, s3;
	[sflag:s28] =	ssyncset.done $0x0;
	s0 =	sshll.u32 s0, $0x7  }
0x4e: {  	[sflag:s28] =	ssyncadd.s32 $0xFFFFD800;
	s0 =	sor.u32 $0x200, s0;
	s28 =	smov.u32 s30  }
0x4f: {  	[spmem:s1] =	stream.indirect.scatter.add.f32 [tilespmem:s3], [sflag:s31], $0x80, s0, s21, $0xb8;
	[tilespmem:$0x19400] =	vst v63  }
.LBB2_2:
0x50: {  	p0 =	seq.s32 s28, $0x0  }
0x51: {  	p1 =	sgt.u32 @!p0 s28, $0x7A  }
0x52: {  	s26 =	sand.u32 $0x1, s28;
	p1 =	por p0, !p1  }
.Ltmp4:
0x53: {  	s29 =	sxor.u32 @!p0 $0x1, s26;
	(pc) =	sbr.rel @p1 .LBB2_3-.Ltmp4, $4  }
0x54: {  	s30 =	sor.u32 @!p0 $0x6, s29  }
0x55: {  	_ =	swait.ge @!p0 [sflag:s30], $0x2800  }
0x56: {  	[sflag:s30] =	ssyncset.done @!p0 $0x0  }
0x57: {  	[sflag:s30] =	ssyncadd.s32 @!p0 $0xFFFFD800  }
0x58: {  	p0 =	seq.s32 s28, $0x7C  }
.Ltmp5:
0x59: {  	_ = 	snop;
	(pc) =	sbr.rel @p0 .LBB2_6-.Ltmp5, $4  }
.Ltmp6:
0x5a: {  	_ = 	snop;
	(pc) =	sbr.rel @!p0 .LBB2_5-.Ltmp6, $4  }
0x5b: {  	_ = 	snop  }
0x5c: {  	_ = 	snop  }
0x5d: {  	s30 =	simm.s32 $0x7D  }
0x5e: {  	_ = 	snop  }
.LBB2_8:
0x5f: {  	_ =	sfence.sel $0x180000  }
0x60: {  	[bflag:$0x0] =	sbarrier.arrive $0xFFFF  }
0x61: {  	_ =	strace $0x9000004A  }
0x62: {  	s0 =	stileid.u32;
	[bflag:$0x2] =	sbarrier.arrive $0xFFFF  }
0x63: {  	p0 =	sne.s32 s0, $0x0;
	s0 =	rddreg [dreg:$0x2]  }
0x64: {  	s0 =	sadd.s32 @!p0 $0x100000, s0  }
0x65: {  	[sflag:s0] =	ssyncadd.tile.s32 @!p0 $0x1;
	_ =	shalt  }
.Lfunc_end2:
_tile_overlayer_lowered:
.L_overlay_start_2:
0x66: {  	(tag) =	ssettag $0x2  }
0x67: {  	s0 =	rddreg [dreg:$0x0];
	s2 =	stileid.u32  }
0x68: {  	s1 =	rddreg [dreg:$0x1];
	p0 =	sne.s32 s2, $0x0  }
0x69: {  	s3 =	rddreg [dreg:$0x2];
	[bflag:$0x3] =	sbarrier.arrive $0xFFFF;
	s2 =	simm.s32 @!p0 $0x1C08  }
0x6a: {  	[timem:s3], [sflag:s2] =	dma.local @!p0 [hbm:s0], s1  }
0x6b: {  	s0 =	simm.s32 @!p0 $0x8  }
0x6c: {  	_ =	swait.ge @!p0 [sflag:s0], s1  }
0x6d: {  	s1 =	ssub.s32 @!p0 $0x0, s1;
	[sflag:s0] =	ssyncset.done @!p0 $0x0  }
0x6e: {  	[sflag:s0] =	ssyncadd.s32 @!p0 s1  }
0x6f: {  	[bflag:$0x3] =	sbarrier.arrive $0xFFFF  }
0x70: {  	_ =	shalt  }

// kernel: kernel.14.cloned.1.call-start
scs
__scs_entry_jumppad:
0x0: {  	(pc) =	sbr.rel $0x88, $3  }
0x1: {  	(tag) =	ssettag $0x0;
	lr =	simm.s32 $0x1  }
0x2: {  	[smem:$0x3F98] =	sst lr;
	_ =	strace $0xD0000000  }
0x3: {  	_ = 	snop  }
0x4: {  	_ = 	snop  }
0x5: {  	_ = 	snop  }
0x6: {  	_ = 	snop  }
0x7: {  	_ = 	snop  }
__scs_overlays_trampoline_lowered:
0x8: {  	[smem:$0x3FA7] =	sst s0  }
0x9: {  	[smem:$0x3FA8] =	sst s1  }
0xa: {  	[smem:$0x3FA9] =	sst s2  }
0xb: {  	[smem:$0x3FAA] =	sst s3  }
0xc: {  	[smem:$0x3FAB] =	sst s4  }
0xd: {  	[smem:$0x3FAC] =	sst s5  }
0xe: {  	[smem:$0x3FAD] =	sst s6  }
0xf: {  	[smem:$0x3FAE] =	sst s7  }
0x10: {  	[smem:$0x3FAF] =	sst s8  }
0x11: {  	[smem:$0x3FB0] =	sst s9;
	s0 =	simm.s32 @!p0 $0x0  }
0x12: {  	s1 =	sld [smem:$0x3F96];
	s0 =	simm.s32 @p0 $0x1  }
0x13: {  	[smem:$0x3FB1] =	sst s0;
	s0 =	simm.s32 @!p1 $0x0  }
0x14: {  	s2 =	sld [smem:$0x3F95];
	s0 =	simm.s32 @p1 $0x1  }
0x15: {  	[smem:$0x3FB2] =	sst s0;
	s0 =	simm.s32 @!p2 $0x0  }
0x16: {  	s3 =	sld [smem:$0x3FDB];
	s0 =	simm.s32 @p2 $0x1  }
0x17: {  	s4 =	simm.s32 $0x1BF5;
	[smem:$0x3FB4] =	sst s0  }
0x18: {  	s0 =	sld [smem:$0x3F97];
	_ =	swait.ge [sflag:s4], $0x0  }
0x19: {  	s7 =	sld [smem:$0x3F98]  }
0x1a: {  	s8 =	sadd.s32 $0xFFFFE003, lr  }
0x1b: {  	s9 =	sadd.s32 $0xFFFFFEF7, lr;
	s5 =	simm.s32 $0xFFFFFFFF;
	p2 =	slt.u32 s8, $0xFFFFF086  }
0x1c: {  	p1 =	slt.u32 s9, $0xF7A;
	s5 =	simm.s32 @!p2 $0x0  }
0x1d: {  	s5 =	simm.s32 @p1 $0x1;
	p0 =	seq.s32 s7, s2  }
0x1e: {  	s7 =	smul.u32 @!p0 $0xF7A, s2;
	p2 =	seq.s32 @!p0 s5, $0x0  }
0x1f: {  	s9 =	smul.u32 $0xF7A, s1;
	s8 =	simm.s32 @!p0 $0x1BF5;
	p2 =	por !p2, p0  }
0x20: {  	[sflag:s8] =	ssyncset.s32 @!p0 $0xFFFFF086;
	s6 =	sadd.s32 @!p0 s3, s7;
	s7 =	simm.s32 @!p0 $0x108  }
0x21: {  	s3 =	sadd.s32 s3, s9;
	s6 =	sadd.s32 @!p0 $0x88, s6;
	s7 =	simm.s32 @p2 $0x1082  }
0x22: {  	[simem:s7], [sflag:s8] =	dma.local @!p0 [hbm:s6], $0xF7A  }
0x23: {  	s9 =	sor.u32 $0xD0000000, s2;
	s6 =	simm.s32 $0x108;
	_ =	swait.ge @!p0 [sflag:s8], $0x0  }
0x24: {  	s3 =	sadd.s32 $0x88, s3;
	s6 =	simm.s32 @!p1 $0x1082;
	[sflag:s4] =	ssyncset.s32 $0xFFFFF086  }
0x25: {  	[simem:s6], [sflag:s4] =	dma.local [hbm:s3], $0xF7A  }
0x26: {  	[smem:$0x3F98] =	sst s1;
	(tag) =	ssettag s2;
	_ =	strace s9  }
0x27: {  	s1 =	sld [smem:$0x3FA8]  }
0x28: {  	s2 =	sld [smem:$0x3FA9]  }
0x29: {  	s4 =	sld [smem:$0x3FAB]  }
0x2a: {  	p0 =	seq.s32 s5, $0x0;
	s5 =	sld [smem:$0x3FAC]  }
0x2b: {  	s6 =	sld [smem:$0x3FAD]  }
0x2c: {  	s7 =	sld [smem:$0x3FAE]  }
0x2d: {  	s3 =	simm.s32 $0x108;
	s8 =	sld [smem:$0x3FAF]  }
0x2e: {  	s3 =	simm.s32 @!p0 $0x1082;
	s9 =	sld [smem:$0x3FB0]  }
0x2f: {  	lr =	sadd.s32 s0, s3;
	s0 =	sld [smem:$0x3FA7]  }
0x30: {  	s3 =	sld [smem:$0x3FAA]  }
0x31: {  	[smem:$0x3FB3] =	sst s10  }
0x32: {  	s10 =	sld [smem:$0x3FB1];
	_ =	sdelay $0x3  }
0x33: {  	p0 =	seq.s32 s10, $0x1;
	s10 =	sld [smem:$0x3FB3];
	_ =	sdelay $0x3  }
0x34: {  	[smem:$0x3FB3] =	sst s10  }
0x35: {  	s10 =	sld [smem:$0x3FB2];
	_ =	sdelay $0x3  }
0x36: {  	p1 =	seq.s32 s10, $0x1;
	s10 =	sld [smem:$0x3FB3];
	_ =	sdelay $0x3  }
0x37: {  	[smem:$0x3FB3] =	sst s10  }
0x38: {  	s10 =	sld [smem:$0x3FB4]  }
0x39: {  	_ = 	snop;
	(pc) =	sbr.ind lr, $3  }
0x3a: {  	_ = 	snop  }
0x3b: {  	_ = 	snop  }
0x3c: {  	p2 =	seq.s32 s10, $0x1;
	s10 =	sld [smem:$0x3FB3]  }
0x3d: {  	_ =	shalt  }
0x3e: {  	_ =	shalt  }
0x3f: {  	_ =	shalt  }
0x40: {  	_ =	shalt  }
0x41: {  	_ =	shalt  }
0x42: {  	_ =	shalt  }
0x43: {  	_ =	shalt  }
0x44: {  	_ =	shalt  }
0x45: {  	_ =	shalt  }
0x46: {  	_ =	shalt  }
0x47: {  	_ =	shalt  }
0x48: {  	_ =	shalt  }
0x49: {  	_ =	shalt  }
0x4a: {  	_ =	shalt  }
0x4b: {  	_ =	shalt  }
0x4c: {  	_ =	shalt  }
0x4d: {  	_ =	shalt  }
0x4e: {  	_ =	shalt  }
0x4f: {  	_ =	shalt  }
0x50: {  	_ =	shalt  }
0x51: {  	_ =	shalt  }
0x52: {  	_ =	shalt  }
0x53: {  	_ =	shalt  }
0x54: {  	_ =	shalt  }
0x55: {  	_ =	shalt  }
0x56: {  	_ =	shalt  }
0x57: {  	_ =	shalt  }
0x58: {  	_ =	shalt  }
0x59: {  	_ =	shalt  }
0x5a: {  	_ =	shalt  }
0x5b: {  	_ =	shalt  }
0x5c: {  	_ =	shalt  }
0x5d: {  	_ =	shalt  }
0x5e: {  	_ =	shalt  }
0x5f: {  	_ =	shalt  }
0x60: {  	_ =	shalt  }
0x61: {  	_ =	shalt  }
0x62: {  	_ =	shalt  }
0x63: {  	_ =	shalt  }
0x64: {  	_ =	shalt  }
0x65: {  	_ =	shalt  }
0x66: {  	_ =	shalt  }
0x67: {  	_ =	shalt  }
0x68: {  	_ =	shalt  }
0x69: {  	_ =	shalt  }
0x6a: {  	_ =	shalt  }
0x6b: {  	_ =	shalt  }
0x6c: {  	_ =	shalt  }
0x6d: {  	_ =	shalt  }
0x6e: {  	_ =	shalt  }
0x6f: {  	_ =	shalt  }
0x70: {  	_ =	shalt  }
0x71: {  	_ =	shalt  }
0x72: {  	_ =	shalt  }
0x73: {  	_ =	shalt  }
0x74: {  	_ =	shalt  }
0x75: {  	_ =	shalt  }
0x76: {  	_ =	shalt  }
0x77: {  	_ =	shalt  }
0x78: {  	_ =	shalt  }
0x79: {  	_ =	shalt  }
0x7a: {  	_ =	shalt  }
0x7b: {  	_ =	shalt  }
0x7c: {  	_ =	shalt  }
0x7d: {  	_ =	shalt  }
0x7e: {  	_ =	shalt  }
0x7f: {  	_ =	shalt  }
0x80: {  	_ =	shalt  }
0x81: {  	_ =	shalt  }
0x82: {  	_ =	shalt  }
0x83: {  	_ =	shalt  }
0x84: {  	_ =	shalt  }
0x85: {  	_ =	shalt  }
0x86: {  	_ =	shalt  }
0x87: {  	_ =	shalt  }
.Lfunc_end0:
.L_simem_size_0:
called_computation.2_lowered:
.L_overlay_start_0:
0x88: {  	s2 =	sld [smem:$0x3FD9]  }
0x89: {  	s3 =	sld [smem:$0x3FFE];
	_ =	sdelay $0x1  }
0x8a: {  	s1 =	srdreg.scid  }
0x8b: {  	s0 =	sand.u32 $0x1, s1  }
0x8c: {  	s16 =	sshll.u32 s0, $0xA;
	s2 =	sadd.s32 s3, s2  }
0x8d: {  	s2 =	sadd.s32 s2, s16  }
0x8e: {  	[smem:$0x3FBF] =	sst s2  }
0x8f: {  	_ = 	snop  }
0x90: {  	(tm) =	ssettm $0x1  }
0x91: {  	s17 =	sld [smem:$0x3FFB];
	_ =	sdelay $0x3  }
0x92: {  	_ =	strace s17  }
0x93: {  	s2 =	sld [smem:$0x3FFC];
	_ =	sdelay $0x3  }
0x94: {  	_ =	strace s2  }
0x95: {  	s2 =	sld [smem:$0x3FFD];
	_ =	sdelay $0x3  }
0x96: {  	_ =	strace s2  }
0x97: {  	_ =	strace $0x8FFFFFFF  }
0x98: {  	s18 =	sld [smem:$0x3FDB];
	_ =	sdelay $0x1  }
0x99: {  	s19 =	simm.s32 $_scs_section_size  }
0x9a: {  	s4 =	simm.s32 $_size__tile_overlayer_lowered;
	s5 =	simm.s32 $_tile_overlayer_lowered  }
0x9b: {  	s22 =	simm.s32 $0x1BFF;
	s21 =	sshll.u32 s5, $0x1;
	s2 =	sadd.s32 s19, s18  }
0x9c: {  	s6 =	simm.s32 $0x0;
	s20 =	sshll.u32 s4, $0x1;
	s4 =	sadd.s32 s21, s2  }
0x9d: {  	[timem:s6], [sflag:s22] =	dma.local [hbm:s4], s20  }
0x9e: {  	_ =	swait.ge [sflag:s22], s20  }
0x9f: {  	s3 =	ssub.s32 $0x0, s20;
	[sflag:s22] =	ssyncset.done $0x0  }
0xa0: {  	[sflag:s22] =	ssyncadd.s32 s3;
	_ =	sdelay $0x1  }
0xa1: {  	s23 =	simm.s32 $0x1B8B  }
0xa2: {  	_ =	swait.ge [sflag:s23], $0x1  }
0xa3: {  	[sflag:s23] =	ssyncset.done $0x0  }
0xa4: {  	s25 =	simm.s32 $0x1B8E;
	s24 =	sld [smem:$0x3FFE];
	[sflag:s23] =	ssyncadd.s32 $0xFFFFFFFF  }
0xa5: {  	s26 =	simm.s32 $execute0_lowered;
	[smem:$0x3FD2] =	sst s25  }
0xa6: {  	s4 =	sshll.u32 s26, $0x1;
	_ =	strace $0x8000004C;
	[dreg:$0x1] =	wrdreg $0xFFFFFFFF  }
0xa7: {  	s28 =	simm.s32 $_size_execute0_lowered;
	s2 =	sadd.s32 s2, s4;
	[dreg:$0x0] =	wrdreg $0x0  }
0xa8: {  	s4 =	sshll.u32 s28, $0x1;
	[dreg:$0x2] =	wrdreg s2  }
0xa9: {  	[dreg:$0x3] =	wrdreg s4  }
0xaa: {  	[dreg:$0x4] =	wrdreg $0xC0  }
0xab: {  	_ =	task [dreg:s6], $0x5FFFF  }
0xac: {  	[dreg:$0x1] =	wrdreg $0xFFFFFFFF  }
0xad: {  	[dreg:$0x0] =	wrdreg $0x60  }
0xae: {  	[dreg:$0x2] =	wrdreg s24  }
0xaf: {  	[dreg:$0x3] =	wrdreg $0x54000  }
0xb0: {  	[dreg:$0x4] =	wrdreg $0x9  }
0xb1: {  	_ =	task.clear_ibuf [dreg:s6], $0x5FFFF;
	_ =	strace $0x9000004C  }
0xb2: {  	s29 =	simm.s32 $0x9;
	_ =	strace $0x8000004E  }
0xb3: {  	_ =	swait.ge [sflag:s29], $0x1  }
0xb4: {  	[sflag:s29] =	ssyncadd.s32 $0xFFFFFFFF  }
0xb5: {  	_ =	strace $0x9000004E  }
0xb6: {  	_ =	sfence  }
0xb7: {  	s30 =	sld [smem:$0x0];
	_ =	sdelay $0x2  }
0xb8: {  	s31 =	sshll.u32 s1, $0xD;
	s1 =	sshrl.u32 s1, $0x2  }
0xb9: {  	s3 =	sand.u32 $0x4000, s31;
	s1 =	sadd.s32 s1, s30  }
0xba: {  	s0 =	sor.u32 s3, s0;
	s1 =	sshll.u32 s1, $0x11  }
0xbb: {  	s0 =	sor.u32 s1, s0  }
0xbc: {  	s0 =	sadd.s32 $0x8F2B, s0  }
0xbd: {  	[sflag:s0] =	ssyncadd.remote.s32 $0x1  }
0xbe: {  	_ =	sfence.sel $0xFFFF  }
0xbf: {  	[dreg:$0x0] =	wrdreg $0xFFFFFFFF;
	(pc) =	sbr.abs _section_cstart, $3  }
0xc0: {  	[dreg:$0x1] =	wrdreg $0xFFFFFFFF  }
0xc1: {  	_ =	task.clear_ibuf [dreg:s6], $0x2FFFF;
	_ =	strace $0x9FFFFFFF  }
0xc2: {  	(tm) =	ssettm $0x7FFFFFFF  }
0xc3: {  	_ =	shalt  }
tec
execute0_lowered:
.L_overlay_start_1:
0x0: {  	(tag) =	ssettag $0x1  }
0x1: {  	s9 =	rddreg [dreg:$0x0]  }
0x2: {  	s1 =	rddreg [dreg:$0x1];
	s2 =	simm.s32 $0x0;
	s3 =	srdreg.scid  }
0x3: {  	s0 =	stileid.u32;
	s17 =	simm.s32 $0x200;
	s18 =	simm.s32 $0x80  }
0x4: {  	s19 =	simm.s32 $0x280;
	s20 =	simm.s32 $0x1;
	s21 =	simm.s32 $0x50  }
0x5: {  	s22 =	simm.s32 $0x400;
	s23 =	simm.s32 $0x6;
	[smem:$0x7FF] =	sst s2  }
0x6: {  	s6 =	sand.u32 $0x1, s3;
	s4 =	sadd.s32 $0x29000, s9;
	s13 =	smul.u32 $0x50000, s0  }
0x7: {  	s8 =	sadd.s32 $0x26800, s9;
	s29 =	sshll.u32 s0, $0x6;
	s25 =	smul.u32 $0x2800, s0  }
0x8: {  	_ =	strace $0x8000004D;
	s5 =	sshll.u32 s6, $0x4;
	s10 =	smul.u32 $0x28000, s6  }
0x9: {  	s11 =	ssub.s32 $0x2, s6;
	s7 =	sor.u32 s0, s5;
	s5 =	sadd.s32 $0x2600, s9  }
0xa: {  	s12 =	sshrl.u32 s11, $0x1;
	s28 =	sshrl.u32 s13, $0x2;
	s6 =	smul.u32 $0x2710, s7  }
0xb: {  	s7 =	sadd.s32 $0xC400, s9;
	s14 =	sadd.s32 s10, s9;
	s15 =	ssub.s32 s11, s12  }
.Ltmp0:
0xc: {  	s16 =	sadd.s32 s28, s1;
	s9 =	sor.u32 $0x1C08, s29;
	(pc) =	sbr.rel .LBB2_1-.Ltmp0, $4  }
0xd: {  	s24 =	sadd.s32 $0x50200, s14;
	s14 =	smax.u32 s15, $0x1;
	s15 =	sshrl.u32 s16, $0x3  }
0xe: {  	s16 =	simm.s32 $0x8;
	s30 =	sshrl.u32 s6, $0x3;
	s24 =	sadd.s32 s25, s24  }
0xf: {  	s25 =	simm.s32 $0x0;
	s31 =	sadd.s32 $0xA, s30;
	s10 =	sadd.s32 s5, s30  }
0x10: {  	s11 =	sadd.s32 s7, s30;
	s12 =	sadd.s32 s5, s31;
	s13 =	sadd.s32 s7, s31  }
.LBB2_7:
0x11: {  	_ =	swait.ge [sflag:s23], $0x2800  }
0x12: {  	s25 =	sadd.s32 $0x1, s25;
	[sflag:s23] =	ssyncset.done $0x0  }
0x13: {  	p0 =	sne.s32 s25, s14;
	[sflag:s23] =	ssyncadd.s32 $0xFFFFD800  }
.Ltmp1:
0x14: {  	[bflag:$0x0] =	sbarrier.arrive $0xFFFF;
	(pc) =	sbr.rel @!p0 .LBB2_8-.Ltmp1, $4  }
0x15: {  	[hbm:s24], [sflag:s9] =	dma.local [spmem:s15], $0x2800  }
0x16: {  	_ =	swait.ge [sflag:s16], $0x2800  }
0x17: {  	[sflag:s16] =	ssyncset.done $0x0  }
0x18: {  	[sflag:s16] =	ssyncadd.s32 $0xFFFFD800  }
.LBB2_1:
0x19: {  	[spmem:s15], [sflag:s9] =	dma.local [hbm:s8], $0x2800  }
0x1a: {  	_ =	swait.ge [sflag:s16], $0x2800  }
0x1b: {  	[sflag:s16] =	ssyncset.done $0x0  }
0x1c: {  	[sflag:s16] =	ssyncadd.s32 $0xFFFFD800  }
0x1d: {  	[tilespmem:s2], [sflag:$0x1] =	stream.linear.gather [hbm4b:s10+s2], $0x50, $0x38;
	[tilespmem:$0x19400] =	vst v63  }
0x1e: {  	_ = 	snop  }
0x1f: {  	[tilespmem:s17], [sflag:$0x1] =	stream.linear.gather [hbm4b:s11+s2], $0x50, $0x38;
	[tilespmem:$0x19400] =	vst v63  }
0x20: {  	_ = 	snop  }
0x21: {  	[tilespmem:s18], [sflag:$0x2] =	stream.linear.gather [hbm4b:s12+s2], $0x50, $0x38;
	[tilespmem:$0x19400] =	vst v63  }
0x22: {  	_ = 	snop  }
0x23: {  	[tilespmem:s19], [sflag:$0x2] =	stream.linear.gather [hbm4b:s13+s2], $0x50, $0x38;
	[tilespmem:$0x19400] =	vst v63  }
0x24: {  	[bflag:$0x0] =	sbarrier.arrive $0xFFFF  }
0x25: {  	_ =	swait.ge [sflag:s20], $0x50  }
0x26: {  	[sflag:s20] =	ssyncset.done $0x0  }
.Ltmp2:
0x27: {  	[sflag:s20] =	ssyncadd.s32 $0xFFFFFFB0;
	(pc) =	sbr.rel .LBB2_2-.Ltmp2, $4  }
0x28: {  	_ =	swait.ge [sflag:s20], $0x50  }
0x29: {  	[sflag:s20] =	ssyncset.done $0x0  }
0x2a: {  	s28 =	simm.s32 $0x0;
	[sflag:s20] =	ssyncadd.s32 $0xFFFFFFB0  }
0x2b: {  	[tilespmem:s22], [sflag:$0x4] =	stream.indirect.gather [hbm4b:s4+s21], $0x80, s2, s21, $0xb8;
	[tilespmem:$0x19400] =	vst v63  }
.LBB2_3:
0x2c: {  	s30 =	sadd.s32 $0x2, s28  }
0x2d: {  	s31 =	smul.u32 $0xAB, s30;
	_ =	sdelay $0x1  }
0x2e: {  	s31 =	sshrl.u32 s31, $0x9  }
0x2f: {  	s0 =	smul.u32 $0x50, s30;
	s31 =	sand.u32 $0x7F, s31  }
0x30: {  	s31 =	smul.u32 $0x3, s31;
	_ =	sdelay $0x1  }
0x31: {  	s0 =	sadd.s32 s6, s0;
	s30 =	ssub.s32 s30, s31  }
0x32: {  	s0 =	sshrl.u32 s0, $0x3;
	s30 =	sand.u32 $0xFF, s30  }
0x33: {  	s3 =	sadd.s32 s5, s0;
	s31 =	sadd.s32 $0x1, s30;
	s30 =	sshll.u32 s30, $0x7  }
0x34: {  	[tilespmem:s30], [sflag:s31] =	stream.linear.gather [hbm4b:s3+s2], $0x50, $0x38;
	[tilespmem:$0x19400] =	vst v63  }
0x35: {  	s29 =	simm.s32 @p0 $0x1;
	s0 =	sadd.s32 s7, s0;
	s30 =	sor.u32 $0x200, s30  }
0x36: {  	[tilespmem:s30], [sflag:s31] =	stream.linear.gather [hbm4b:s0+s2], $0x50, $0x38;
	[tilespmem:$0x19400] =	vst v63  }
.LBB2_5:
0x37: {  	s30 =	sadd.s32 $0x1, s28  }
0x38: {  	s0 =	smul.u32 $0xAB, s30;
	_ =	sdelay $0x1  }
0x39: {  	s0 =	sshrl.u32 s0, $0x9  }
0x3a: {  	s0 =	sand.u32 $0x7F, s0  }
0x3b: {  	s0 =	smul.u32 $0x3, s0;
	_ =	sdelay $0x1  }
0x3c: {  	s0 =	ssub.s32 s30, s0  }
0x3d: {  	s0 =	sand.u32 $0xFF, s0  }
0x3e: {  	s3 =	sadd.s32 $0x1, s0  }
0x3f: {  	_ =	swait.ge [sflag:s3], $0x50  }
0x40: {  	[sflag:s3] =	ssyncset.done $0x0  }
0x41: {  	s31 =	smul.u32 $0xA000, s29;
	[sflag:s3] =	ssyncadd.s32 $0xFFFFFFB0  }
0x42: {  	_ =	swait.ge [sflag:s3], $0x50  }
0x43: {  	s31 =	sshrl.u32 s31, $0x2;
	s0 =	sshll.u32 s0, $0x7;
	[sflag:s3] =	ssyncset.done $0x0  }
0x44: {  	[sflag:s3] =	ssyncadd.s32 $0xFFFFFFB0;
	s3 =	sor.u32 $0x400, s31;
	s31 =	sor.u32 $0x4, s29  }
0x45: {  	[tilespmem:s3], [sflag:s31] =	stream.indirect.gather [hbm4b:s4+s21], $0x80, s0, s21, $0xb8;
	[tilespmem:$0x19400] =	vst v63  }
.LBB2_6:
0x46: {  	s0 =	smul.u32 $0xAB, s28;
	_ =	sdelay $0x1  }
0x47: {  	s0 =	sshrl.u32 s0, $0x9  }
0x48: {  	s0 =	sand.u32 $0x7F, s0  }
0x49: {  	s0 =	smul.u32 $0x3, s0  }
0x4a: {  	s3 =	smul.u32 $0xA000, s26;
	s31 =	sor.u32 $0x6, s26;
	p0 =	slt.u32 s30, $0x7D  }
.Ltmp3:
0x4b: {  	s0 =	ssub.s32 s28, s0;
	s28 =	sor.u32 $0x4, s26;
	(pc) =	sbr.rel @!p0 .LBB2_7-.Ltmp3, $4  }
0x4c: {  	s3 =	sshrl.u32 s3, $0x2;
	_ =	swait.ge [sflag:s28], $0x2800;
	s0 =	sand.u32 $0xFB, s0  }
0x4d: {  	s3 =	sor.u32 $0x400, s3;
	[sflag:s28] =	ssyncset.done $0x0;
	s0 =	sshll.u32 s0, $0x7  }
0x4e: {  	[sflag:s28] =	ssyncadd.s32 $0xFFFFD800;
	s0 =	sor.u32 $0x200, s0;
	s28 =	smov.u32 s30  }
0x4f: {  	[spmem:s1] =	stream.indirect.scatter.add.f32 [tilespmem:s3], [sflag:s31], $0x80, s0, s21, $0xb8;
	[tilespmem:$0x19400] =	vst v63  }
.LBB2_2:
0x50: {  	p0 =	seq.s32 s28, $0x0  }
0x51: {  	p1 =	sgt.u32 @!p0 s28, $0x7A  }
0x52: {  	s26 =	sand.u32 $0x1, s28;
	p1 =	por p0, !p1  }
.Ltmp4:
0x53: {  	s29 =	sxor.u32 @!p0 $0x1, s26;
	(pc) =	sbr.rel @p1 .LBB2_3-.Ltmp4, $4  }
0x54: {  	s30 =	sor.u32 @!p0 $0x6, s29  }
0x55: {  	_ =	swait.ge @!p0 [sflag:s30], $0x2800  }
0x56: {  	[sflag:s30] =	ssyncset.done @!p0 $0x0  }
0x57: {  	[sflag:s30] =	ssyncadd.s32 @!p0 $0xFFFFD800  }
0x58: {  	p0 =	seq.s32 s28, $0x7C  }
.Ltmp5:
0x59: {  	_ = 	snop;
	(pc) =	sbr.rel @p0 .LBB2_6-.Ltmp5, $4  }
.Ltmp6:
0x5a: {  	_ = 	snop;
	(pc) =	sbr.rel @!p0 .LBB2_5-.Ltmp6, $4  }
0x5b: {  	_ = 	snop  }
0x5c: {  	_ = 	snop  }
0x5d: {  	s30 =	simm.s32 $0x7D  }
0x5e: {  	_ = 	snop  }
.LBB2_8:
0x5f: {  	_ =	sfence.sel $0x180000  }
0x60: {  	[bflag:$0x0] =	sbarrier.arrive $0xFFFF  }
0x61: {  	_ =	strace $0x9000004D  }
0x62: {  	s0 =	stileid.u32;
	[bflag:$0x2] =	sbarrier.arrive $0xFFFF  }
0x63: {  	p0 =	sne.s32 s0, $0x0;
	s0 =	rddreg [dreg:$0x2]  }
0x64: {  	s0 =	sadd.s32 @!p0 $0x100000, s0  }
0x65: {  	[sflag:s0] =	ssyncadd.tile.s32 @!p0 $0x1;
	_ =	shalt  }
.Lfunc_end2:
_tile_overlayer_lowered:
.L_overlay_start_2:
0x66: {  	(tag) =	ssettag $0x2  }
0x67: {  	s0 =	rddreg [dreg:$0x0];
	s2 =	stileid.u32  }
0x68: {  	s1 =	rddreg [dreg:$0x1];
	p0 =	sne.s32 s2, $0x0  }
0x69: {  	s3 =	rddreg [dreg:$0x2];
	[bflag:$0x3] =	sbarrier.arrive $0xFFFF;
	s2 =	simm.s32 @!p0 $0x1C08  }
0x6a: {  	[timem:s3], [sflag:s2] =	dma.local @!p0 [hbm:s0], s1  }
0x6b: {  	s0 =	simm.s32 @!p0 $0x8  }
0x6c: {  	_ =	swait.ge @!p0 [sflag:s0], s1  }
0x6d: {  	s1 =	ssub.s32 @!p0 $0x0, s1;
	[sflag:s0] =	ssyncset.done @!p0 $0x0  }
0x6e: {  	[sflag:s0] =	ssyncadd.s32 @!p0 s1  }
0x6f: {  	[bflag:$0x3] =	sbarrier.arrive $0xFFFF  }
0x70: {  	_ =	shalt  }

// kernel: kernel.8.cloned.1.call-start
scs
__scs_entry_jumppad:
0x0: {  	(pc) =	sbr.rel $0x88, $3  }
0x1: {  	(tag) =	ssettag $0x0;
	lr =	simm.s32 $0x1  }
0x2: {  	[smem:$0x3F98] =	sst lr;
	_ =	strace $0xD0000000  }
0x3: {  	_ = 	snop  }
0x4: {  	_ = 	snop  }
0x5: {  	_ = 	snop  }
0x6: {  	_ = 	snop  }
0x7: {  	_ = 	snop  }
__scs_overlays_trampoline_lowered:
0x8: {  	[smem:$0x3FA7] =	sst s0  }
0x9: {  	[smem:$0x3FA8] =	sst s1  }
0xa: {  	[smem:$0x3FA9] =	sst s2  }
0xb: {  	[smem:$0x3FAA] =	sst s3  }
0xc: {  	[smem:$0x3FAB] =	sst s4  }
0xd: {  	[smem:$0x3FAC] =	sst s5  }
0xe: {  	[smem:$0x3FAD] =	sst s6  }
0xf: {  	[smem:$0x3FAE] =	sst s7  }
0x10: {  	[smem:$0x3FAF] =	sst s8  }
0x11: {  	[smem:$0x3FB0] =	sst s9;
	s0 =	simm.s32 @!p0 $0x0  }
0x12: {  	s1 =	sld [smem:$0x3F96];
	s0 =	simm.s32 @p0 $0x1  }
0x13: {  	[smem:$0x3FB1] =	sst s0;
	s0 =	simm.s32 @!p1 $0x0  }
0x14: {  	s2 =	sld [smem:$0x3F95];
	s0 =	simm.s32 @p1 $0x1  }
0x15: {  	[smem:$0x3FB2] =	sst s0;
	s0 =	simm.s32 @!p2 $0x0  }
0x16: {  	s3 =	sld [smem:$0x3FDB];
	s0 =	simm.s32 @p2 $0x1  }
0x17: {  	s4 =	simm.s32 $0x1BF5;
	[smem:$0x3FB4] =	sst s0  }
0x18: {  	s0 =	sld [smem:$0x3F97];
	_ =	swait.ge [sflag:s4], $0x0  }
0x19: {  	s7 =	sld [smem:$0x3F98]  }
0x1a: {  	s8 =	sadd.s32 $0xFFFFE003, lr  }
0x1b: {  	s9 =	sadd.s32 $0xFFFFFEF7, lr;
	s5 =	simm.s32 $0xFFFFFFFF;
	p2 =	slt.u32 s8, $0xFFFFF086  }
0x1c: {  	p1 =	slt.u32 s9, $0xF7A;
	s5 =	simm.s32 @!p2 $0x0  }
0x1d: {  	s5 =	simm.s32 @p1 $0x1;
	p0 =	seq.s32 s7, s2  }
0x1e: {  	s7 =	smul.u32 @!p0 $0xF7A, s2;
	p2 =	seq.s32 @!p0 s5, $0x0  }
0x1f: {  	s9 =	smul.u32 $0xF7A, s1;
	s8 =	simm.s32 @!p0 $0x1BF5;
	p2 =	por !p2, p0  }
0x20: {  	[sflag:s8] =	ssyncset.s32 @!p0 $0xFFFFF086;
	s6 =	sadd.s32 @!p0 s3, s7;
	s7 =	simm.s32 @!p0 $0x108  }
0x21: {  	s3 =	sadd.s32 s3, s9;
	s6 =	sadd.s32 @!p0 $0x88, s6;
	s7 =	simm.s32 @p2 $0x1082  }
0x22: {  	[simem:s7], [sflag:s8] =	dma.local @!p0 [hbm:s6], $0xF7A  }
0x23: {  	s9 =	sor.u32 $0xD0000000, s2;
	s6 =	simm.s32 $0x108;
	_ =	swait.ge @!p0 [sflag:s8], $0x0  }
0x24: {  	s3 =	sadd.s32 $0x88, s3;
	s6 =	simm.s32 @!p1 $0x1082;
	[sflag:s4] =	ssyncset.s32 $0xFFFFF086  }
0x25: {  	[simem:s6], [sflag:s4] =	dma.local [hbm:s3], $0xF7A  }
0x26: {  	[smem:$0x3F98] =	sst s1;
	(tag) =	ssettag s2;
	_ =	strace s9  }
0x27: {  	s1 =	sld [smem:$0x3FA8]  }
0x28: {  	s2 =	sld [smem:$0x3FA9]  }
0x29: {  	s4 =	sld [smem:$0x3FAB]  }
0x2a: {  	p0 =	seq.s32 s5, $0x0;
	s5 =	sld [smem:$0x3FAC]  }
0x2b: {  	s6 =	sld [smem:$0x3FAD]  }
0x2c: {  	s7 =	sld [smem:$0x3FAE]  }
0x2d: {  	s3 =	simm.s32 $0x108;
	s8 =	sld [smem:$0x3FAF]  }
0x2e: {  	s3 =	simm.s32 @!p0 $0x1082;
	s9 =	sld [smem:$0x3FB0]  }
0x2f: {  	lr =	sadd.s32 s0, s3;
	s0 =	sld [smem:$0x3FA7]  }
0x30: {  	s3 =	sld [smem:$0x3FAA]  }
0x31: {  	[smem:$0x3FB3] =	sst s10  }
0x32: {  	s10 =	sld [smem:$0x3FB1];
	_ =	sdelay $0x3  }
0x33: {  	p0 =	seq.s32 s10, $0x1;
	s10 =	sld [smem:$0x3FB3];
	_ =	sdelay $0x3  }
0x34: {  	[smem:$0x3FB3] =	sst s10  }
0x35: {  	s10 =	sld [smem:$0x3FB2];
	_ =	sdelay $0x3  }
0x36: {  	p1 =	seq.s32 s10, $0x1;
	s10 =	sld [smem:$0x3FB3];
	_ =	sdelay $0x3  }
0x37: {  	[smem:$0x3FB3] =	sst s10  }
0x38: {  	s10 =	sld [smem:$0x3FB4]  }
0x39: {  	_ = 	snop;
	(pc) =	sbr.ind lr, $3  }
0x3a: {  	_ = 	snop  }
0x3b: {  	_ = 	snop  }
0x3c: {  	p2 =	seq.s32 s10, $0x1;
	s10 =	sld [smem:$0x3FB3]  }
0x3d: {  	_ =	shalt  }
0x3e: {  	_ =	shalt  }
0x3f: {  	_ =	shalt  }
0x40: {  	_ =	shalt  }
0x41: {  	_ =	shalt  }
0x42: {  	_ =	shalt  }
0x43: {  	_ =	shalt  }
0x44: {  	_ =	shalt  }
0x45: {  	_ =	shalt  }
0x46: {  	_ =	shalt  }
0x47: {  	_ =	shalt  }
0x48: {  	_ =	shalt  }
0x49: {  	_ =	shalt  }
0x4a: {  	_ =	shalt  }
0x4b: {  	_ =	shalt  }
0x4c: {  	_ =	shalt  }
0x4d: {  	_ =	shalt  }
0x4e: {  	_ =	shalt  }
0x4f: {  	_ =	shalt  }
0x50: {  	_ =	shalt  }
0x51: {  	_ =	shalt  }
0x52: {  	_ =	shalt  }
0x53: {  	_ =	shalt  }
0x54: {  	_ =	shalt  }
0x55: {  	_ =	shalt  }
0x56: {  	_ =	shalt  }
0x57: {  	_ =	shalt  }
0x58: {  	_ =	shalt  }
0x59: {  	_ =	shalt  }
0x5a: {  	_ =	shalt  }
0x5b: {  	_ =	shalt  }
0x5c: {  	_ =	shalt  }
0x5d: {  	_ =	shalt  }
0x5e: {  	_ =	shalt  }
0x5f: {  	_ =	shalt  }
0x60: {  	_ =	shalt  }
0x61: {  	_ =	shalt  }
0x62: {  	_ =	shalt  }
0x63: {  	_ =	shalt  }
0x64: {  	_ =	shalt  }
0x65: {  	_ =	shalt  }
0x66: {  	_ =	shalt  }
0x67: {  	_ =	shalt  }
0x68: {  	_ =	shalt  }
0x69: {  	_ =	shalt  }
0x6a: {  	_ =	shalt  }
0x6b: {  	_ =	shalt  }
0x6c: {  	_ =	shalt  }
0x6d: {  	_ =	shalt  }
0x6e: {  	_ =	shalt  }
0x6f: {  	_ =	shalt  }
0x70: {  	_ =	shalt  }
0x71: {  	_ =	shalt  }
0x72: {  	_ =	shalt  }
0x73: {  	_ =	shalt  }
0x74: {  	_ =	shalt  }
0x75: {  	_ =	shalt  }
0x76: {  	_ =	shalt  }
0x77: {  	_ =	shalt  }
0x78: {  	_ =	shalt  }
0x79: {  	_ =	shalt  }
0x7a: {  	_ =	shalt  }
0x7b: {  	_ =	shalt  }
0x7c: {  	_ =	shalt  }
0x7d: {  	_ =	shalt  }
0x7e: {  	_ =	shalt  }
0x7f: {  	_ =	shalt  }
0x80: {  	_ =	shalt  }
0x81: {  	_ =	shalt  }
0x82: {  	_ =	shalt  }
0x83: {  	_ =	shalt  }
0x84: {  	_ =	shalt  }
0x85: {  	_ =	shalt  }
0x86: {  	_ =	shalt  }
0x87: {  	_ =	shalt  }
.Lfunc_end0:
.L_simem_size_0:
called_computation_lowered:
.L_overlay_start_0:
0x88: {  	s2 =	sld [smem:$0x3FD9]  }
0x89: {  	s3 =	sld [smem:$0x3FFE];
	_ =	sdelay $0x1  }
0x8a: {  	s1 =	srdreg.scid  }
0x8b: {  	s0 =	sand.u32 $0x1, s1  }
0x8c: {  	s16 =	sshll.u32 s0, $0xA;
	s2 =	sadd.s32 s3, s2  }
0x8d: {  	s2 =	sadd.s32 s2, s16  }
0x8e: {  	[smem:$0x3FBF] =	sst s2  }
0x8f: {  	_ = 	snop  }
0x90: {  	(tm) =	ssettm $0x1  }
0x91: {  	s17 =	sld [smem:$0x3FFB];
	_ =	sdelay $0x3  }
0x92: {  	_ =	strace s17  }
0x93: {  	s2 =	sld [smem:$0x3FFC];
	_ =	sdelay $0x3  }
0x94: {  	_ =	strace s2  }
0x95: {  	s2 =	sld [smem:$0x3FFD];
	_ =	sdelay $0x3  }
0x96: {  	_ =	strace s2  }
0x97: {  	_ =	strace $0x8FFFFFFF  }
0x98: {  	s18 =	sld [smem:$0x3FDB];
	_ =	sdelay $0x1  }
0x99: {  	s19 =	simm.s32 $_scs_section_size  }
0x9a: {  	s4 =	simm.s32 $_size__tile_overlayer_lowered;
	s5 =	simm.s32 $_tile_overlayer_lowered  }
0x9b: {  	s22 =	simm.s32 $0x1BFF;
	s21 =	sshll.u32 s5, $0x1;
	s2 =	sadd.s32 s19, s18  }
0x9c: {  	s6 =	simm.s32 $0x0;
	s20 =	sshll.u32 s4, $0x1;
	s4 =	sadd.s32 s21, s2  }
0x9d: {  	[timem:s6], [sflag:s22] =	dma.local [hbm:s4], s20  }
0x9e: {  	_ =	swait.ge [sflag:s22], s20  }
0x9f: {  	s3 =	ssub.s32 $0x0, s20;
	[sflag:s22] =	ssyncset.done $0x0  }
0xa0: {  	[sflag:s22] =	ssyncadd.s32 s3;
	_ =	sdelay $0x1  }
0xa1: {  	s23 =	simm.s32 $0x1B8B  }
0xa2: {  	_ =	swait.ge [sflag:s23], $0x1  }
0xa3: {  	[sflag:s23] =	ssyncset.done $0x0  }
0xa4: {  	s25 =	simm.s32 $0x1B8E;
	s24 =	sld [smem:$0x3FFE];
	[sflag:s23] =	ssyncadd.s32 $0xFFFFFFFF  }
0xa5: {  	s26 =	simm.s32 $execute0_lowered;
	[smem:$0x3FD2] =	sst s25  }
0xa6: {  	s4 =	sshll.u32 s26, $0x1;
	_ =	strace $0x80000046;
	[dreg:$0x1] =	wrdreg $0xFFFFFFFF  }
0xa7: {  	s28 =	simm.s32 $_size_execute0_lowered;
	s2 =	sadd.s32 s2, s4;
	[dreg:$0x0] =	wrdreg $0x0  }
0xa8: {  	s4 =	sshll.u32 s28, $0x1;
	[dreg:$0x2] =	wrdreg s2  }
0xa9: {  	[dreg:$0x3] =	wrdreg s4  }
0xaa: {  	[dreg:$0x4] =	wrdreg $0xC0  }
0xab: {  	_ =	task [dreg:s6], $0x5FFFF  }
0xac: {  	[dreg:$0x1] =	wrdreg $0xFFFFFFFF  }
0xad: {  	[dreg:$0x0] =	wrdreg $0x60  }
0xae: {  	[dreg:$0x2] =	wrdreg s24  }
0xaf: {  	[dreg:$0x3] =	wrdreg $0x68000  }
0xb0: {  	[dreg:$0x4] =	wrdreg $0x9  }
0xb1: {  	_ =	task.clear_ibuf [dreg:s6], $0x5FFFF;
	_ =	strace $0x90000046  }
0xb2: {  	s29 =	simm.s32 $0x9;
	_ =	strace $0x80000048  }
0xb3: {  	_ =	swait.ge [sflag:s29], $0x1  }
0xb4: {  	[sflag:s29] =	ssyncadd.s32 $0xFFFFFFFF  }
0xb5: {  	_ =	strace $0x90000048  }
0xb6: {  	_ =	sfence  }
0xb7: {  	s30 =	sld [smem:$0x0];
	_ =	sdelay $0x2  }
0xb8: {  	s31 =	sshll.u32 s1, $0xD;
	s1 =	sshrl.u32 s1, $0x2  }
0xb9: {  	s3 =	sand.u32 $0x4000, s31;
	s1 =	sadd.s32 s1, s30  }
0xba: {  	s0 =	sor.u32 s3, s0;
	s1 =	sshll.u32 s1, $0x11  }
0xbb: {  	s0 =	sor.u32 s1, s0  }
0xbc: {  	s0 =	sadd.s32 $0x8F2B, s0  }
0xbd: {  	[sflag:s0] =	ssyncadd.remote.s32 $0x1  }
0xbe: {  	_ =	sfence.sel $0xFFFF  }
0xbf: {  	[dreg:$0x0] =	wrdreg $0xFFFFFFFF;
	(pc) =	sbr.abs _section_cstart, $3  }
0xc0: {  	[dreg:$0x1] =	wrdreg $0xFFFFFFFF  }
0xc1: {  	_ =	task.clear_ibuf [dreg:s6], $0x2FFFF;
	_ =	strace $0x9FFFFFFF  }
0xc2: {  	(tm) =	ssettm $0x7FFFFFFF  }
0xc3: {  	_ =	shalt  }
tec
execute0_lowered:
.L_overlay_start_1:
0x0: {  	(tag) =	ssettag $0x1  }
0x1: {  	s6 =	rddreg [dreg:$0x0]  }
0x2: {  	s2 =	rddreg [dreg:$0x1]  }
0x3: {  	s0 =	rddreg [dreg:$0x2];
	s3 =	simm.s32 $0x0;
	s1 =	stileid.u32  }
0x4: {  	s5 =	srdreg.scid;
	s12 =	simm.s32 $0x50;
	s13 =	simm.s32 $0x80  }
0x5: {  	s14 =	simm.s32 $0x2;
	s15 =	simm.s32 $0x1;
	[smem:$0x7FF] =	sst s3  }
0x6: {  	s4 =	sshll.u32 s1, $0xB;
	s8 =	sand.u32 $0x1, s5;
	s11 =	smul.u32 $0x50000, s1  }
0x7: {  	s5 =	sadd.s32 $0x26800, s6;
	s17 =	smul.u32 $0x2800, s1;
	s31 =	sshll.u32 s1, $0x6  }
0x8: {  	_ =	strace $0x80000047;
	s7 =	sadd.s32 s4, s6;
	s4 =	sadd.s32 $0x26200, s6  }
0x9: {  	s9 =	smul.u32 $0x28000, s8;
	s10 =	ssub.s32 $0x2, s8;
	s8 =	sshll.u32 s8, $0xF  }
0xa: {  	s28 =	sshrl.u32 s10, $0x1;
	s7 =	sadd.s32 s8, s7;
	s30 =	sshrl.u32 s11, $0x2  }
0xb: {  	s8 =	simm.s32 $0x4000;
	s9 =	sadd.s32 s9, s6;
	s29 =	ssub.s32 s10, s28  }
0xc: {  	s6 =	sadd.s32 $0x16200, s7;
	s11 =	sadd.s32 s30, s2;
	s10 =	sor.u32 $0x1C03, s31  }
0xd: {  	s16 =	sadd.s32 $0x29000, s9;
	s7 =	smax.u32 s29, $0x1;
	s9 =	simm.s32 $0x3  }
0xe: {  	s11 =	sshrl.u32 s11, $0x3;
	s16 =	sadd.s32 s17, s16;
	s17 =	simm.s32 $0x0  }
.LBB2_1:
0xf: {  	[tilespmem:s8], [sflag:$0x3] =	stream.linear.gather [hbm4b:s4+s3], $0x2800, $0x38;
	[tilespmem:$0x1A800] =	vst v63  }
0x10: {  	_ =	swait.ge [sflag:s9], $0x2800  }
0x11: {  	[sflag:s9] =	ssyncset.done $0x0  }
0x12: {  	[sflag:s9] =	ssyncadd.s32 $0xFFFFD800  }
0x13: {  	[tilespmem:s3], [sflag:$0x3] =	stream.linear.gather [hbm4b:s6+s3], $0x3E80, $0x38;
	[tilespmem:$0x1A800] =	vst v63  }
0x14: {  	_ =	swait.ge [sflag:s9], $0x3E80  }
0x15: {  	[sflag:s9] =	ssyncset.done $0x0  }
0x16: {  	[sflag:s9] =	ssyncadd.s32 $0xFFFFC180  }
0x17: {  	[spmem:s11], [sflag:s10] =	dma.local [hbm:s5], $0x2800  }
0x18: {  	_ =	swait.ge [sflag:s9], $0x2800  }
0x19: {  	[sflag:s9] =	ssyncset.done $0x0  }
0x1a: {  	[sflag:s9] =	ssyncadd.s32 $0xFFFFD800  }
0x1b: {  	s18 =	sand.u32 $0x1, s14;
	[bflag:$0x0] =	sbarrier.arrive $0xFFFF  }
0x1c: {  	[spmem:s2] =	stream.indirect.scatter.add.f32 [tilespmem:s8], [sflag:$0x1], $0x80, s3, s12, $0xb8;
	[tilespmem:$0x1A800] =	vst v63  }
0x1d: {  	s19 =	sadd.s32 $0x1, s18  }
0x1e: {  	[spmem:s2] =	stream.indirect.scatter.add.f32 [tilespmem:s8], [sflag:$0x2], $0x80, s13, s12, $0xb8;
	[tilespmem:$0x1A800] =	vst v63  }
0x1f: {  	_ =	swait.ge [sflag:s19], $0x2800  }
0x20: {  	s20 =	simm.s32 $0x3;
	[sflag:s19] =	ssyncset.done $0x0  }
0x21: {  	s18 =	simm.s32 $0x100;
	s20 =	sand.u32 $0x1, s20;
	[sflag:s19] =	ssyncadd.s32 $0xFFFFD800  }
0x22: {  	[spmem:s2] =	stream.indirect.scatter.add.f32 [tilespmem:s8], [sflag:s19], $0x80, s18, s12, $0xb8;
	[tilespmem:$0x1A800] =	vst v63  }
0x23: {  	s19 =	sadd.s32 $0x1, s20  }
0x24: {  	s20 =	simm.s32 $0x4;
	_ =	swait.ge [sflag:s19], $0x2800  }
.LBB2_2:
0x25: {  	s21 =	sand.u32 $0x1, s20  }
0x26: {  	[sflag:s19] =	ssyncset.done $0x0;
	s18 =	sadd.s32 $0x80, s18;
	p0 =	sne.s32 s20, $0x7C  }
.Ltmp0:
0x27: {  	s21 =	sadd.s32 $0x1, s21;
	[sflag:s19] =	ssyncadd.s32 $0xFFFFD800;
	(pc) =	sbr.rel @p0 .LBB2_2-.Ltmp0, $3  }
0x28: {  	[spmem:s2] =	stream.indirect.scatter.add.f32 [tilespmem:s8], [sflag:s19], $0x80, s18, s12, $0xb8;
	[tilespmem:$0x1A800] =	vst v63  }
0x29: {  	s19 =	smov.u32 s21;
	_ =	swait.ge [sflag:s21], $0x2800;
	_ =	sdelay $0x1  }
0x2a: {  	s20 =	sadd.s32 $0x1, s20  }
0x2b: {  	[sflag:s19] =	ssyncset.done $0x0  }
0x2c: {  	s18 =	sadd.s32 $0x80, s18;
	[sflag:s19] =	ssyncadd.s32 $0xFFFFD800  }
0x2d: {  	[spmem:s2] =	stream.indirect.scatter.add.f32 [tilespmem:s8], [sflag:s19], $0x80, s18, s12, $0xb8;
	[tilespmem:$0x1A800] =	vst v63  }
0x2e: {  	_ =	swait.ge [sflag:s14], $0x2800  }
0x2f: {  	[sflag:s14] =	ssyncset.done $0x0  }
0x30: {  	[sflag:s14] =	ssyncadd.s32 $0xFFFFD800  }
0x31: {  	_ =	swait.ge [sflag:s15], $0x2800  }
0x32: {  	s17 =	sadd.s32 $0x1, s17;
	[sflag:s15] =	ssyncset.done $0x0  }
0x33: {  	p0 =	sne.s32 s17, s7;
	[sflag:s15] =	ssyncadd.s32 $0xFFFFD800  }
.Ltmp1:
0x34: {  	[bflag:$0x0] =	sbarrier.arrive $0xFFFF;
	(pc) =	sbr.rel @p0 .LBB2_1-.Ltmp1, $4  }
0x35: {  	[hbm:s16], [sflag:s10] =	dma.local [spmem:s11], $0x2800  }
0x36: {  	_ =	swait.ge [sflag:s9], $0x2800  }
0x37: {  	[sflag:s9] =	ssyncset.done $0x0  }
0x38: {  	[sflag:s9] =	ssyncadd.s32 $0xFFFFD800  }
0x39: {  	_ =	sfence.sel $0x180000  }
0x3a: {  	[bflag:$0x0] =	sbarrier.arrive $0xFFFF  }
0x3b: {  	p0 =	sne.s32 s1, $0x0;
	_ =	strace $0x90000047  }
0x3c: {  	s0 =	sadd.s32 @!p0 $0x100000, s0;
	[bflag:$0x2] =	sbarrier.arrive $0xFFFF  }
0x3d: {  	[sflag:s0] =	ssyncadd.tile.s32 @!p0 $0x1;
	_ =	shalt  }
.Lfunc_end2:
_tile_overlayer_lowered:
.L_overlay_start_2:
0x3e: {  	(tag) =	ssettag $0x2  }
0x3f: {  	s0 =	rddreg [dreg:$0x0];
	s2 =	stileid.u32  }
0x40: {  	s1 =	rddreg [dreg:$0x1];
	p0 =	sne.s32 s2, $0x0  }
0x41: {  	s3 =	rddreg [dreg:$0x2];
	[bflag:$0x3] =	sbarrier.arrive $0xFFFF;
	s2 =	simm.s32 @!p0 $0x1C03  }
0x42: {  	[timem:s3], [sflag:s2] =	dma.local @!p0 [hbm:s0], s1  }
0x43: {  	s0 =	simm.s32 @!p0 $0x3  }
0x44: {  	_ =	swait.ge @!p0 [sflag:s0], s1  }
0x45: {  	s1 =	ssub.s32 @!p0 $0x0, s1;
	[sflag:s0] =	ssyncset.done @!p0 $0x0  }
0x46: {  	[sflag:s0] =	ssyncadd.s32 @!p0 s1  }
0x47: {  	[bflag:$0x3] =	sbarrier.arrive $0xFFFF  }
0x48: {  	_ =	shalt  }

</sc_bundles>
